<compile_context>
chip_gen: v7x
topology: tpu7x:2x2x1
jax: 0.10.2.dev20260603
libtpu: 0.0.44.dev20260713+nightly
codegen_flags: <defaults>
</compile_context>

<pallas_src>
import jax
import jax.numpy as jnp
from jax import lax
from jax.experimental import pallas as pl
from jax.experimental.pallas import tpu as pltpu
from jax.experimental.pallas import tpu_sc as plsc

_NC, _NS, _L = 2, 16, 16
_NW = _NC * _NS
_L_OUT = 2046
_L_IN = 4096
_ROWS = 4096
_GROUPS_PER_W = _ROWS // (_NW * _L)
_STRIDE = 1025
_L_PAD = 2048
_CHUNKS = ((0, 1024), (1024, 1024))


def _scatter_body(idx_hbm, go_hbm, out_hbm, idx_v, go_v, out_v):
    wid = lax.axis_index("s") * _NC + lax.axis_index("c")
    lane = lax.iota(jnp.int32, _L)

    def group_body(g, carry):
        r0 = (wid * _GROUPS_PER_W + g) * _L

        def zero_body(i, c):
            col = i * _L
            z = jnp.zeros((_L,), jnp.float32)
            for r in range(_L):
                out_v[r, pl.ds(col, _L)] = z
            return c

        lax.fori_loop(0, _L_IN // _L, zero_body, 0)

        for off, w in _CHUNKS:
            pltpu.sync_copy(
                idx_hbm.at[pl.ds(r0, _L), pl.ds(off, w)],
                idx_v.at[:, pl.ds(0, w)],
            )
            pltpu.sync_copy(
                go_hbm.at[pl.ds(r0, _L), pl.ds(off, w)],
                go_v.at[:, pl.ds(0, w)],
            )

            def j_body(j, c):
                jsplat = jnp.full((_L,), j, jnp.int32)
                iv = plsc.load_gather(idx_v, [lane, jsplat])
                iv = jnp.bitwise_and(iv, _L_IN - 1)
                gv = plsc.load_gather(go_v, [lane, jsplat])
                plsc.store_scatter(out_v, [lane, iv], gv)
                return c

            lax.fori_loop(0, w, j_body, 0)

        pltpu.sync_copy(out_v, out_hbm.at[pl.ds(r0, _L), :])
        return carry

    lax.fori_loop(0, _GROUPS_PER_W, group_body, 0)


def _build(interpret=False):
    return pl.kernel(
        _scatter_body,
        out_type=jax.ShapeDtypeStruct((_ROWS, _L_IN), jnp.float32),
        mesh=plsc.VectorSubcoreMesh(
            core_axis_name="c", subcore_axis_name="s",
            num_cores=_NC, num_subcores=_NS,
        ),
        scratch_types=[
            pltpu.VMEM((_L, _STRIDE), jnp.int32),
            pltpu.VMEM((_L, _STRIDE), jnp.float32),
            pltpu.VMEM((_L, _L_IN), jnp.float32),
        ],
        compiler_params=pltpu.CompilerParams(
            use_tc_tiling_on_sc=False, needs_layout_passes=False,
        ),
        interpret=interpret,
    )


def kernel(indices, grad_output, grad_input):
    b, c, lo = indices.shape
    rows = b * c
    idx2 = indices.reshape(rows, lo)
    go2 = grad_output.reshape(rows, lo)
    rowbase = jnp.arange(rows, dtype=jnp.int32)[:, None] * _L_IN
    keys = (idx2 + rowbase).reshape(-1)
    ks, vs = lax.sort((keys, go2.reshape(-1)), dimension=0, num_keys=1,
                      is_stable=False)
    k2 = ks.reshape(rows, lo)
    v2 = vs.reshape(rows, lo)
    pad = _L_PAD - lo
    k2 = jnp.concatenate([k2, jnp.tile(k2[:, -1:], (1, pad))], axis=1)
    v2 = jnp.concatenate([v2, jnp.tile(v2[:, -1:], (1, pad))], axis=1)
    out = _build()(k2, v2)
    return out.reshape(grad_input.shape)

# --- scband reference (transcript-rebuilt; emitter-appended) ---
"""Pipeline reference for scband-model-18356690223418 (READ-ONLY COPY).

The authoritative reference and input builder live on the scoring server;
editing this copy changes nothing except your own understanding.
"""

import jax, jax.numpy as jnp
import numpy as np

B, C, L_OUT, L_IN = 4, 1024, 2046, 4096


def setup_inputs(seed: int = 0) -> dict:
    key = jax.random.key(seed)
    k1, k2 = jax.random.split(key)
    indices = jax.random.randint(k1, (B, C, L_OUT), 0, L_IN, dtype=jnp.int32)
    grad_output = jax.random.normal(k2, (B, C, L_OUT), dtype=jnp.float32)
    grad_input = jnp.zeros((B, C, L_IN), dtype=jnp.float32)
    return {"indices": indices, "grad_output": grad_output, "grad_input": grad_input}


def reference(indices, grad_output, grad_input):
    # MaxPool1d backward: scatter grad_output into grad_input along dim 2 at `indices`
    # (overwrite semantics, matching torch.Tensor.scatter_).
    input_size = grad_input.shape
    b, c, lo = indices.shape
    gi = grad_input.reshape(b, c, -1)
    idx = indices.reshape(b, c, -1)
    go = grad_output.reshape(b, c, -1)
    bi = jnp.arange(b)[:, None, None]
    ci = jnp.arange(c)[None, :, None]
    gi = gi.at[bi, ci, idx].set(go)
    return gi.reshape(input_size)

if __name__ == "__main__":
    import jax
    _d = setup_inputs()
    print(jax.jit(kernel)(*tuple(_d.values())))

</pallas_src>

<mosaic_0001>
#map = affine_map<(d0, d1) -> (0, 0)>
module attributes {stable_mosaic.version = 14 : i64} {
  func.func @_scatter_body(%arg0: i32, %arg1: i32, %arg2: memref<4096x2048xi32, #tpu.memory_space<hbm>>, %arg3: memref<4096x2048xf32, #tpu.memory_space<hbm>>, %arg4: memref<4096x4096xf32, #tpu.memory_space<hbm>>, %arg5: memref<16x1025xi32, #tpu.memory_space<vmem>>, %arg6: memref<16x1025xf32, #tpu.memory_space<vmem>>, %arg7: memref<16x4096xf32, #tpu.memory_space<vmem>>) attributes {dimension_semantics = [#tpu.dimension_semantics<core_parallel>, #tpu.dimension_semantics<subcore_parallel>], iteration_bounds = array<i64: 2, 16>, scalar_prefetch = 0 : i64, scratch_operands = 3 : i64, tpu.core_type = #tpu.core_type<sc_vector_subcore>, window_params = [{transform_indices = #map}, {transform_indices = #map}, {transform_indices = #map}]} {
    %mul3A = arith.constant 2 : i32
    %mul3A_0 = arith.muli %arg1, %mul3A : i32
    %add3A = arith.addi %mul3A_0, %arg0 : i32
    %iota3A = tpu.iota {dimensions = array<i32: 0>} : vector<16xi32>
    %scan3A = arith.constant 0 : i32
    %scan3A_1 = arith.constant 0 : i32
    %scan3A_2 = arith.constant 8 : i32
    %scan3A_3 = arith.addi %scan3A_1, %scan3A_2 : i32
    %scan3A_4 = arith.constant 1 : i32
    scf.for %scan3A_6 = %scan3A_1 to %scan3A_3 step %scan3A_4  : i32 {
      %mul3A_7 = arith.constant 8 : i32
      %mul3A_8 = arith.muli %add3A, %mul3A_7 : i32
      %add3A_9 = arith.addi %mul3A_8, %scan3A_6 : i32
      %mul3A_10 = arith.constant 16 : i32
      %mul3A_11 = arith.muli %add3A_9, %mul3A_10 : i32
      %scan3A_12 = arith.constant 0 : i32
      %scan3A_13 = arith.constant 0 : i32
      %scan3A_14 = arith.constant 256 : i32
      %scan3A_15 = arith.addi %scan3A_13, %scan3A_14 : i32
      %scan3A_16 = arith.constant 1 : i32
      scf.for %scan3A_30 = %scan3A_13 to %scan3A_15 step %scan3A_16  : i32 {
        %mul3A_31 = arith.constant 16 : i32
        %mul3A_32 = arith.muli %scan3A_30, %mul3A_31 : i32
        %broadcast_in_dim3A = arith.constant 0.000000e+00 : f32
        %broadcast_in_dim3A_33 = vector.broadcast %broadcast_in_dim3A : f32 to vector<16xf32>
        %swap3A = arith.constant 0 : i32
        %swap3A_34 = arith.index_cast %swap3A : i32 to index
        %swap3A_35 = arith.index_cast %mul3A_32 : i32 to index
        %swap3A_36 = tpu.vector_load %arg7[%swap3A_34, %swap3A_35] {strides = array<i32>} : memref<16x4096xf32, #tpu.memory_space<vmem>>, vector<16xf32>,
        tpu.vector_store %arg7[%swap3A_34, %swap3A_35], %broadcast_in_dim3A_33 {strides = array<i32>} : memref<16x4096xf32, #tpu.memory_space<vmem>>, vector<16xf32>,
        %swap3A_37 = arith.constant 1 : i32
        %swap3A_38 = arith.index_cast %swap3A_37 : i32 to index
        %swap3A_39 = arith.index_cast %mul3A_32 : i32 to index
        %swap3A_40 = tpu.vector_load %arg7[%swap3A_38, %swap3A_39] {strides = array<i32>} : memref<16x4096xf32, #tpu.memory_space<vmem>>, vector<16xf32>,
        tpu.vector_store %arg7[%swap3A_38, %swap3A_39], %broadcast_in_dim3A_33 {strides = array<i32>} : memref<16x4096xf32, #tpu.memory_space<vmem>>, vector<16xf32>,
        %swap3A_41 = arith.constant 2 : i32
        %swap3A_42 = arith.index_cast %swap3A_41 : i32 to index
        %swap3A_43 = arith.index_cast %mul3A_32 : i32 to index
        %swap3A_44 = tpu.vector_load %arg7[%swap3A_42, %swap3A_43] {strides = array<i32>} : memref<16x4096xf32, #tpu.memory_space<vmem>>, vector<16xf32>,
        tpu.vector_store %arg7[%swap3A_42, %swap3A_43], %broadcast_in_dim3A_33 {strides = array<i32>} : memref<16x4096xf32, #tpu.memory_space<vmem>>, vector<16xf32>,
        %swap3A_45 = arith.constant 3 : i32
        %swap3A_46 = arith.index_cast %swap3A_45 : i32 to index
        %swap3A_47 = arith.index_cast %mul3A_32 : i32 to index
        %swap3A_48 = tpu.vector_load %arg7[%swap3A_46, %swap3A_47] {strides = array<i32>} : memref<16x4096xf32, #tpu.memory_space<vmem>>, vector<16xf32>,
        tpu.vector_store %arg7[%swap3A_46, %swap3A_47], %broadcast_in_dim3A_33 {strides = array<i32>} : memref<16x4096xf32, #tpu.memory_space<vmem>>, vector<16xf32>,
        %swap3A_49 = arith.constant 4 : i32
        %swap3A_50 = arith.index_cast %swap3A_49 : i32 to index
        %swap3A_51 = arith.index_cast %mul3A_32 : i32 to index
        %swap3A_52 = tpu.vector_load %arg7[%swap3A_50, %swap3A_51] {strides = array<i32>} : memref<16x4096xf32, #tpu.memory_space<vmem>>, vector<16xf32>,
        tpu.vector_store %arg7[%swap3A_50, %swap3A_51], %broadcast_in_dim3A_33 {strides = array<i32>} : memref<16x4096xf32, #tpu.memory_space<vmem>>, vector<16xf32>,
        %swap3A_53 = arith.constant 5 : i32
        %swap3A_54 = arith.index_cast %swap3A_53 : i32 to index
        %swap3A_55 = arith.index_cast %mul3A_32 : i32 to index
        %swap3A_56 = tpu.vector_load %arg7[%swap3A_54, %swap3A_55] {strides = array<i32>} : memref<16x4096xf32, #tpu.memory_space<vmem>>, vector<16xf32>,
        tpu.vector_store %arg7[%swap3A_54, %swap3A_55], %broadcast_in_dim3A_33 {strides = array<i32>} : memref<16x4096xf32, #tpu.memory_space<vmem>>, vector<16xf32>,
        %swap3A_57 = arith.constant 6 : i32
        %swap3A_58 = arith.index_cast %swap3A_57 : i32 to index
        %swap3A_59 = arith.index_cast %mul3A_32 : i32 to index
        %swap3A_60 = tpu.vector_load %arg7[%swap3A_58, %swap3A_59] {strides = array<i32>} : memref<16x4096xf32, #tpu.memory_space<vmem>>, vector<16xf32>,
        tpu.vector_store %arg7[%swap3A_58, %swap3A_59], %broadcast_in_dim3A_33 {strides = array<i32>} : memref<16x4096xf32, #tpu.memory_space<vmem>>, vector<16xf32>,
        %swap3A_61 = arith.constant 7 : i32
        %swap3A_62 = arith.index_cast %swap3A_61 : i32 to index
        %swap3A_63 = arith.index_cast %mul3A_32 : i32 to index
        %swap3A_64 = tpu.vector_load %arg7[%swap3A_62, %swap3A_63] {strides = array<i32>} : memref<16x4096xf32, #tpu.memory_space<vmem>>, vector<16xf32>,
        tpu.vector_store %arg7[%swap3A_62, %swap3A_63], %broadcast_in_dim3A_33 {strides = array<i32>} : memref<16x4096xf32, #tpu.memory_space<vmem>>, vector<16xf32>,
        %swap3A_65 = arith.constant 8 : i32
        %swap3A_66 = arith.index_cast %swap3A_65 : i32 to index
        %swap3A_67 = arith.index_cast %mul3A_32 : i32 to index
        %swap3A_68 = tpu.vector_load %arg7[%swap3A_66, %swap3A_67] {strides = array<i32>} : memref<16x4096xf32, #tpu.memory_space<vmem>>, vector<16xf32>,
        tpu.vector_store %arg7[%swap3A_66, %swap3A_67], %broadcast_in_dim3A_33 {strides = array<i32>} : memref<16x4096xf32, #tpu.memory_space<vmem>>, vector<16xf32>,
        %swap3A_69 = arith.constant 9 : i32
        %swap3A_70 = arith.index_cast %swap3A_69 : i32 to index
        %swap3A_71 = arith.index_cast %mul3A_32 : i32 to index
        %swap3A_72 = tpu.vector_load %arg7[%swap3A_70, %swap3A_71] {strides = array<i32>} : memref<16x4096xf32, #tpu.memory_space<vmem>>, vector<16xf32>,
        tpu.vector_store %arg7[%swap3A_70, %swap3A_71], %broadcast_in_dim3A_33 {strides = array<i32>} : memref<16x4096xf32, #tpu.memory_space<vmem>>, vector<16xf32>,
        %swap3A_73 = arith.constant 10 : i32
        %swap3A_74 = arith.index_cast %swap3A_73 : i32 to index
        %swap3A_75 = arith.index_cast %mul3A_32 : i32 to index
        %swap3A_76 = tpu.vector_load %arg7[%swap3A_74, %swap3A_75] {strides = array<i32>} : memref<16x4096xf32, #tpu.memory_space<vmem>>, vector<16xf32>,
        tpu.vector_store %arg7[%swap3A_74, %swap3A_75], %broadcast_in_dim3A_33 {strides = array<i32>} : memref<16x4096xf32, #tpu.memory_space<vmem>>, vector<16xf32>,
        %swap3A_77 = arith.constant 11 : i32
        %swap3A_78 = arith.index_cast %swap3A_77 : i32 to index
        %swap3A_79 = arith.index_cast %mul3A_32 : i32 to index
        %swap3A_80 = tpu.vector_load %arg7[%swap3A_78, %swap3A_79] {strides = array<i32>} : memref<16x4096xf32, #tpu.memory_space<vmem>>, vector<16xf32>,
        tpu.vector_store %arg7[%swap3A_78, %swap3A_79], %broadcast_in_dim3A_33 {strides = array<i32>} : memref<16x4096xf32, #tpu.memory_space<vmem>>, vector<16xf32>,
        %swap3A_81 = arith.constant 12 : i32
        %swap3A_82 = arith.index_cast %swap3A_81 : i32 to index
        %swap3A_83 = arith.index_cast %mul3A_32 : i32 to index
        %swap3A_84 = tpu.vector_load %arg7[%swap3A_82, %swap3A_83] {strides = array<i32>} : memref<16x4096xf32, #tpu.memory_space<vmem>>, vector<16xf32>,
        tpu.vector_store %arg7[%swap3A_82, %swap3A_83], %broadcast_in_dim3A_33 {strides = array<i32>} : memref<16x4096xf32, #tpu.memory_space<vmem>>, vector<16xf32>,
        %swap3A_85 = arith.constant 13 : i32
        %swap3A_86 = arith.index_cast %swap3A_85 : i32 to index
        %swap3A_87 = arith.index_cast %mul3A_32 : i32 to index
        %swap3A_88 = tpu.vector_load %arg7[%swap3A_86, %swap3A_87] {strides = array<i32>} : memref<16x4096xf32, #tpu.memory_space<vmem>>, vector<16xf32>,
        tpu.vector_store %arg7[%swap3A_86, %swap3A_87], %broadcast_in_dim3A_33 {strides = array<i32>} : memref<16x4096xf32, #tpu.memory_space<vmem>>, vector<16xf32>,
        %swap3A_89 = arith.constant 14 : i32
        %swap3A_90 = arith.index_cast %swap3A_89 : i32 to index
        %swap3A_91 = arith.index_cast %mul3A_32 : i32 to index
        %swap3A_92 = tpu.vector_load %arg7[%swap3A_90, %swap3A_91] {strides = array<i32>} : memref<16x4096xf32, #tpu.memory_space<vmem>>, vector<16xf32>,
        tpu.vector_store %arg7[%swap3A_90, %swap3A_91], %broadcast_in_dim3A_33 {strides = array<i32>} : memref<16x4096xf32, #tpu.memory_space<vmem>>, vector<16xf32>,
        %swap3A_93 = arith.constant 15 : i32
        %swap3A_94 = arith.index_cast %swap3A_93 : i32 to index
        %swap3A_95 = arith.index_cast %mul3A_32 : i32 to index
        %swap3A_96 = tpu.vector_load %arg7[%swap3A_94, %swap3A_95] {strides = array<i32>} : memref<16x4096xf32, #tpu.memory_space<vmem>>, vector<16xf32>,
        tpu.vector_store %arg7[%swap3A_94, %swap3A_95], %broadcast_in_dim3A_33 {strides = array<i32>} : memref<16x4096xf32, #tpu.memory_space<vmem>>, vector<16xf32>,
      }
      %scan3A_17 = arith.constant 256 : i32
      "tpu.region"() ({
        %run_scoped3A = tpu.sem_alloc : memref<!tpu.dma_semaphore, #tpu.memory_space<semaphore_mem>>
        %dma_start3A = arith.constant 0 : i32
        %dma_start3A_30 = arith.constant 0 : i32
        %dma_start3A_31 = tpu.memref_slice %arg5[%dma_start3A, %dma_start3A_30] : memref<16x1025xi32, #tpu.memory_space<vmem>> -> memref<16x1024xi32, #tpu.memory_space<vmem>>
        %dma_start3A_32 = arith.constant 0 : i32
        %dma_start3A_33 = tpu.memref_slice %arg2[%mul3A_11, %dma_start3A_32] : memref<4096x2048xi32, #tpu.memory_space<hbm>> -> memref<16x1024xi32, #tpu.memory_space<hbm>>
        %dma_start3A_34 = arith.constant 0 : i32
        %dma_start3A_35 = arith.constant 0 : i32
        %dma_start3A_36 = tpu.memref_slice %arg5[%dma_start3A_34, %dma_start3A_35] : memref<16x1025xi32, #tpu.memory_space<vmem>> -> memref<16x1024xi32, #tpu.memory_space<vmem>>
        %dma_start3A_37 = arith.constant 0 : i32
        %dma_start3A_38 = tpu.memref_slice %arg2[%mul3A_11, %dma_start3A_37] : memref<4096x2048xi32, #tpu.memory_space<hbm>> -> memref<16x1024xi32, #tpu.memory_space<hbm>>
        tpu.enqueue_dma source(%dma_start3A_38 : memref<16x1024xi32, #tpu.memory_space<hbm>>) target(%dma_start3A_36 : memref<16x1024xi32, #tpu.memory_space<vmem>>) target_semaphore(%run_scoped3A : memref<!tpu.dma_semaphore, #tpu.memory_space<semaphore_mem>>)
        %dma_wait3A = arith.constant 0 : i32
        %dma_wait3A_39 = arith.constant 0 : i32
        %dma_wait3A_40 = tpu.memref_slice %arg5[%dma_wait3A, %dma_wait3A_39] : memref<16x1025xi32, #tpu.memory_space<vmem>> -> memref<16x1024xi32, #tpu.memory_space<vmem>>
        %dma_wait3A_41 = arith.constant 0 : i32
        %dma_wait3A_42 = tpu.memref_slice %arg2[%mul3A_11, %dma_wait3A_41] : memref<4096x2048xi32, #tpu.memory_space<hbm>> -> memref<16x1024xi32, #tpu.memory_space<hbm>>
        %dma_wait3A_43 = arith.constant 0 : i32
        %dma_wait3A_44 = arith.constant 0 : i32
        %dma_wait3A_45 = tpu.memref_slice %arg5[%dma_wait3A_43, %dma_wait3A_44] : memref<16x1025xi32, #tpu.memory_space<vmem>> -> memref<16x1024xi32, #tpu.memory_space<vmem>>
        %dma_wait3A_46 = arith.constant 0 : i32
        %dma_wait3A_47 = tpu.memref_slice %arg2[%mul3A_11, %dma_wait3A_46] : memref<4096x2048xi32, #tpu.memory_space<hbm>> -> memref<16x1024xi32, #tpu.memory_space<hbm>>
        tpu.wait_dma2 semaphore(%run_scoped3A : memref<!tpu.dma_semaphore, #tpu.memory_space<semaphore_mem>>) src(%dma_wait3A_47 : memref<16x1024xi32, #tpu.memory_space<hbm>>) dst(%dma_wait3A_45 : memref<16x1024xi32, #tpu.memory_space<vmem>>)
        tpu.yield
      }) : () -> ()
      "tpu.region"() ({
        %run_scoped3A = tpu.sem_alloc : memref<!tpu.dma_semaphore, #tpu.memory_space<semaphore_mem>>
        %dma_start3A = arith.constant 0 : i32
        %dma_start3A_30 = arith.constant 0 : i32
        %dma_start3A_31 = tpu.memref_slice %arg6[%dma_start3A, %dma_start3A_30] : memref<16x1025xf32, #tpu.memory_space<vmem>> -> memref<16x1024xf32, #tpu.memory_space<vmem>>
        %dma_start3A_32 = arith.constant 0 : i32
        %dma_start3A_33 = tpu.memref_slice %arg3[%mul3A_11, %dma_start3A_32] : memref<4096x2048xf32, #tpu.memory_space<hbm>> -> memref<16x1024xf32, #tpu.memory_space<hbm>>
        %dma_start3A_34 = arith.constant 0 : i32
        %dma_start3A_35 = arith.constant 0 : i32
        %dma_start3A_36 = tpu.memref_slice %arg6[%dma_start3A_34, %dma_start3A_35] : memref<16x1025xf32, #tpu.memory_space<vmem>> -> memref<16x1024xf32, #tpu.memory_space<vmem>>
        %dma_start3A_37 = arith.constant 0 : i32
        %dma_start3A_38 = tpu.memref_slice %arg3[%mul3A_11, %dma_start3A_37] : memref<4096x2048xf32, #tpu.memory_space<hbm>> -> memref<16x1024xf32, #tpu.memory_space<hbm>>
        tpu.enqueue_dma source(%dma_start3A_38 : memref<16x1024xf32, #tpu.memory_space<hbm>>) target(%dma_start3A_36 : memref<16x1024xf32, #tpu.memory_space<vmem>>) target_semaphore(%run_scoped3A : memref<!tpu.dma_semaphore, #tpu.memory_space<semaphore_mem>>)
        %dma_wait3A = arith.constant 0 : i32
        %dma_wait3A_39 = arith.constant 0 : i32
        %dma_wait3A_40 = tpu.memref_slice %arg6[%dma_wait3A, %dma_wait3A_39] : memref<16x1025xf32, #tpu.memory_space<vmem>> -> memref<16x1024xf32, #tpu.memory_space<vmem>>
        %dma_wait3A_41 = arith.constant 0 : i32
        %dma_wait3A_42 = tpu.memref_slice %arg3[%mul3A_11, %dma_wait3A_41] : memref<4096x2048xf32, #tpu.memory_space<hbm>> -> memref<16x1024xf32, #tpu.memory_space<hbm>>
        %dma_wait3A_43 = arith.constant 0 : i32
        %dma_wait3A_44 = arith.constant 0 : i32
        %dma_wait3A_45 = tpu.memref_slice %arg6[%dma_wait3A_43, %dma_wait3A_44] : memref<16x1025xf32, #tpu.memory_space<vmem>> -> memref<16x1024xf32, #tpu.memory_space<vmem>>
        %dma_wait3A_46 = arith.constant 0 : i32
        %dma_wait3A_47 = tpu.memref_slice %arg3[%mul3A_11, %dma_wait3A_46] : memref<4096x2048xf32, #tpu.memory_space<hbm>> -> memref<16x1024xf32, #tpu.memory_space<hbm>>
        tpu.wait_dma2 semaphore(%run_scoped3A : memref<!tpu.dma_semaphore, #tpu.memory_space<semaphore_mem>>) src(%dma_wait3A_47 : memref<16x1024xf32, #tpu.memory_space<hbm>>) dst(%dma_wait3A_45 : memref<16x1024xf32, #tpu.memory_space<vmem>>)
        tpu.yield
      }) : () -> ()
      %scan3A_18 = arith.constant 0 : i32
      %scan3A_19 = arith.constant 0 : i32
      %scan3A_20 = arith.constant 1024 : i32
      %scan3A_21 = arith.addi %scan3A_19, %scan3A_20 : i32
      %scan3A_22 = arith.constant 1 : i32
      scf.for %scan3A_30 = %scan3A_19 to %scan3A_21 step %scan3A_22  : i32 {
        %broadcast_in_dim3A = vector.broadcast %scan3A_30 : i32 to vector<16xi32>
        %gather3A = tpu.vector_load_idx %arg5[%iota3A, %broadcast_in_dim3A] : memref<16x1025xi32, #tpu.memory_space<vmem>>[vector<16xi32>, vector<16xi32>], vector<16xi32>,
        %and3A = arith.constant 4095 : i32
        %and3A_31 = vector.broadcast %and3A : i32 to vector<16xi32>
        %and3A_32 = arith.andi %gather3A, %and3A_31 : vector<16xi32>
        %gather3A_33 = tpu.vector_load_idx %arg6[%iota3A, %broadcast_in_dim3A] : memref<16x1025xf32, #tpu.memory_space<vmem>>[vector<16xi32>, vector<16xi32>], vector<16xf32>,
        tpu.vector_store_idx %arg7[%iota3A, %and3A_32], %gather3A_33 : memref<16x4096xf32, #tpu.memory_space<vmem>>[vector<16xi32>, vector<16xi32>], vector<16xf32>,
      }
      %scan3A_23 = arith.constant 1024 : i32
      "tpu.region"() ({
        %run_scoped3A = tpu.sem_alloc : memref<!tpu.dma_semaphore, #tpu.memory_space<semaphore_mem>>
        %dma_start3A = arith.constant 0 : i32
        %dma_start3A_30 = arith.constant 0 : i32
        %dma_start3A_31 = tpu.memref_slice %arg5[%dma_start3A, %dma_start3A_30] : memref<16x1025xi32, #tpu.memory_space<vmem>> -> memref<16x1024xi32, #tpu.memory_space<vmem>>
        %dma_start3A_32 = arith.constant 1024 : i32
        %dma_start3A_33 = tpu.memref_slice %arg2[%mul3A_11, %dma_start3A_32] : memref<4096x2048xi32, #tpu.memory_space<hbm>> -> memref<16x1024xi32, #tpu.memory_space<hbm>>
        %dma_start3A_34 = arith.constant 0 : i32
        %dma_start3A_35 = arith.constant 0 : i32
        %dma_start3A_36 = tpu.memref_slice %arg5[%dma_start3A_34, %dma_start3A_35] : memref<16x1025xi32, #tpu.memory_space<vmem>> -> memref<16x1024xi32, #tpu.memory_space<vmem>>
        %dma_start3A_37 = arith.constant 1024 : i32
        %dma_start3A_38 = tpu.memref_slice %arg2[%mul3A_11, %dma_start3A_37] : memref<4096x2048xi32, #tpu.memory_space<hbm>> -> memref<16x1024xi32, #tpu.memory_space<hbm>>
        tpu.enqueue_dma source(%dma_start3A_38 : memref<16x1024xi32, #tpu.memory_space<hbm>>) target(%dma_start3A_36 : memref<16x1024xi32, #tpu.memory_space<vmem>>) target_semaphore(%run_scoped3A : memref<!tpu.dma_semaphore, #tpu.memory_space<semaphore_mem>>)
        %dma_wait3A = arith.constant 0 : i32
        %dma_wait3A_39 = arith.constant 0 : i32
        %dma_wait3A_40 = tpu.memref_slice %arg5[%dma_wait3A, %dma_wait3A_39] : memref<16x1025xi32, #tpu.memory_space<vmem>> -> memref<16x1024xi32, #tpu.memory_space<vmem>>
        %dma_wait3A_41 = arith.constant 1024 : i32
        %dma_wait3A_42 = tpu.memref_slice %arg2[%mul3A_11, %dma_wait3A_41] : memref<4096x2048xi32, #tpu.memory_space<hbm>> -> memref<16x1024xi32, #tpu.memory_space<hbm>>
        %dma_wait3A_43 = arith.constant 0 : i32
        %dma_wait3A_44 = arith.constant 0 : i32
        %dma_wait3A_45 = tpu.memref_slice %arg5[%dma_wait3A_43, %dma_wait3A_44] : memref<16x1025xi32, #tpu.memory_space<vmem>> -> memref<16x1024xi32, #tpu.memory_space<vmem>>
        %dma_wait3A_46 = arith.constant 1024 : i32
        %dma_wait3A_47 = tpu.memref_slice %arg2[%mul3A_11, %dma_wait3A_46] : memref<4096x2048xi32, #tpu.memory_space<hbm>> -> memref<16x1024xi32, #tpu.memory_space<hbm>>
        tpu.wait_dma2 semaphore(%run_scoped3A : memref<!tpu.dma_semaphore, #tpu.memory_space<semaphore_mem>>) src(%dma_wait3A_47 : memref<16x1024xi32, #tpu.memory_space<hbm>>) dst(%dma_wait3A_45 : memref<16x1024xi32, #tpu.memory_space<vmem>>)
        tpu.yield
      }) : () -> ()
      "tpu.region"() ({
        %run_scoped3A = tpu.sem_alloc : memref<!tpu.dma_semaphore, #tpu.memory_space<semaphore_mem>>
        %dma_start3A = arith.constant 0 : i32
        %dma_start3A_30 = arith.constant 0 : i32
        %dma_start3A_31 = tpu.memref_slice %arg6[%dma_start3A, %dma_start3A_30] : memref<16x1025xf32, #tpu.memory_space<vmem>> -> memref<16x1024xf32, #tpu.memory_space<vmem>>
        %dma_start3A_32 = arith.constant 1024 : i32
        %dma_start3A_33 = tpu.memref_slice %arg3[%mul3A_11, %dma_start3A_32] : memref<4096x2048xf32, #tpu.memory_space<hbm>> -> memref<16x1024xf32, #tpu.memory_space<hbm>>
        %dma_start3A_34 = arith.constant 0 : i32
        %dma_start3A_35 = arith.constant 0 : i32
        %dma_start3A_36 = tpu.memref_slice %arg6[%dma_start3A_34, %dma_start3A_35] : memref<16x1025xf32, #tpu.memory_space<vmem>> -> memref<16x1024xf32, #tpu.memory_space<vmem>>
        %dma_start3A_37 = arith.constant 1024 : i32
        %dma_start3A_38 = tpu.memref_slice %arg3[%mul3A_11, %dma_start3A_37] : memref<4096x2048xf32, #tpu.memory_space<hbm>> -> memref<16x1024xf32, #tpu.memory_space<hbm>>
        tpu.enqueue_dma source(%dma_start3A_38 : memref<16x1024xf32, #tpu.memory_space<hbm>>) target(%dma_start3A_36 : memref<16x1024xf32, #tpu.memory_space<vmem>>) target_semaphore(%run_scoped3A : memref<!tpu.dma_semaphore, #tpu.memory_space<semaphore_mem>>)
        %dma_wait3A = arith.constant 0 : i32
        %dma_wait3A_39 = arith.constant 0 : i32
        %dma_wait3A_40 = tpu.memref_slice %arg6[%dma_wait3A, %dma_wait3A_39] : memref<16x1025xf32, #tpu.memory_space<vmem>> -> memref<16x1024xf32, #tpu.memory_space<vmem>>
        %dma_wait3A_41 = arith.constant 1024 : i32
        %dma_wait3A_42 = tpu.memref_slice %arg3[%mul3A_11, %dma_wait3A_41] : memref<4096x2048xf32, #tpu.memory_space<hbm>> -> memref<16x1024xf32, #tpu.memory_space<hbm>>
        %dma_wait3A_43 = arith.constant 0 : i32
        %dma_wait3A_44 = arith.constant 0 : i32
        %dma_wait3A_45 = tpu.memref_slice %arg6[%dma_wait3A_43, %dma_wait3A_44] : memref<16x1025xf32, #tpu.memory_space<vmem>> -> memref<16x1024xf32, #tpu.memory_space<vmem>>
        %dma_wait3A_46 = arith.constant 1024 : i32
        %dma_wait3A_47 = tpu.memref_slice %arg3[%mul3A_11, %dma_wait3A_46] : memref<4096x2048xf32, #tpu.memory_space<hbm>> -> memref<16x1024xf32, #tpu.memory_space<hbm>>
        tpu.wait_dma2 semaphore(%run_scoped3A : memref<!tpu.dma_semaphore, #tpu.memory_space<semaphore_mem>>) src(%dma_wait3A_47 : memref<16x1024xf32, #tpu.memory_space<hbm>>) dst(%dma_wait3A_45 : memref<16x1024xf32, #tpu.memory_space<vmem>>)
        tpu.yield
      }) : () -> ()
      %scan3A_24 = arith.constant 0 : i32
      %scan3A_25 = arith.constant 0 : i32
      %scan3A_26 = arith.constant 1024 : i32
      %scan3A_27 = arith.addi %scan3A_25, %scan3A_26 : i32
      %scan3A_28 = arith.constant 1 : i32
      scf.for %scan3A_30 = %scan3A_25 to %scan3A_27 step %scan3A_28  : i32 {
        %broadcast_in_dim3A = vector.broadcast %scan3A_30 : i32 to vector<16xi32>
        %gather3A = tpu.vector_load_idx %arg5[%iota3A, %broadcast_in_dim3A] : memref<16x1025xi32, #tpu.memory_space<vmem>>[vector<16xi32>, vector<16xi32>], vector<16xi32>,
        %and3A = arith.constant 4095 : i32
        %and3A_31 = vector.broadcast %and3A : i32 to vector<16xi32>
        %and3A_32 = arith.andi %gather3A, %and3A_31 : vector<16xi32>
        %gather3A_33 = tpu.vector_load_idx %arg6[%iota3A, %broadcast_in_dim3A] : memref<16x1025xf32, #tpu.memory_space<vmem>>[vector<16xi32>, vector<16xi32>], vector<16xf32>,
        tpu.vector_store_idx %arg7[%iota3A, %and3A_32], %gather3A_33 : memref<16x4096xf32, #tpu.memory_space<vmem>>[vector<16xi32>, vector<16xi32>], vector<16xf32>,
      }
      %scan3A_29 = arith.constant 1024 : i32
      "tpu.region"() ({
        %run_scoped3A = tpu.sem_alloc : memref<!tpu.dma_semaphore, #tpu.memory_space<semaphore_mem>>
        %dma_start3A = arith.constant 0 : i32
        %dma_start3A_30 = tpu.memref_slice %arg4[%mul3A_11, %dma_start3A] : memref<4096x4096xf32, #tpu.memory_space<hbm>> -> memref<16x4096xf32, #tpu.memory_space<hbm>>
        %dma_start3A_31 = arith.constant 0 : i32
        %dma_start3A_32 = tpu.memref_slice %arg4[%mul3A_11, %dma_start3A_31] : memref<4096x4096xf32, #tpu.memory_space<hbm>> -> memref<16x4096xf32, #tpu.memory_space<hbm>>
        tpu.enqueue_dma source(%arg7 : memref<16x4096xf32, #tpu.memory_space<vmem>>) target(%dma_start3A_32 : memref<16x4096xf32, #tpu.memory_space<hbm>>) target_semaphore(%run_scoped3A : memref<!tpu.dma_semaphore, #tpu.memory_space<semaphore_mem>>)
        %dma_wait3A = arith.constant 0 : i32
        %dma_wait3A_33 = tpu.memref_slice %arg4[%mul3A_11, %dma_wait3A] : memref<4096x4096xf32, #tpu.memory_space<hbm>> -> memref<16x4096xf32, #tpu.memory_space<hbm>>
        %dma_wait3A_34 = arith.constant 0 : i32
        %dma_wait3A_35 = tpu.memref_slice %arg4[%mul3A_11, %dma_wait3A_34] : memref<4096x4096xf32, #tpu.memory_space<hbm>> -> memref<16x4096xf32, #tpu.memory_space<hbm>>
        tpu.wait_dma2 semaphore(%run_scoped3A : memref<!tpu.dma_semaphore, #tpu.memory_space<semaphore_mem>>) src(%arg7 : memref<16x4096xf32, #tpu.memory_space<vmem>>) dst(%dma_wait3A_35 : memref<16x4096xf32, #tpu.memory_space<hbm>>)
        tpu.yield
      }) : () -> ()
    }
    %scan3A_5 = arith.constant 8 : i32
    return
  }
}

</mosaic_0001>

<sc_bundles>
// kernel: kernel.3.cloned.1.call-start
scs
__scs_entry_jumppad:
0x0: {  	(pc) =	sbr.rel $0x88, $3  }
0x1: {  	(tag) =	ssettag $0x0;
	lr =	simm.s32 $0x1  }
0x2: {  	[smem:$0x3F9F] =	sst lr;
	_ =	strace $0xD0000000  }
0x3: {  	_ = 	snop  }
0x4: {  	_ = 	snop  }
0x5: {  	_ = 	snop  }
0x6: {  	_ = 	snop  }
0x7: {  	_ = 	snop  }
__scs_overlays_trampoline_lowered:
0x8: {  	[smem:$0x3FAE] =	sst s0  }
0x9: {  	[smem:$0x3FAF] =	sst s1  }
0xa: {  	[smem:$0x3FB0] =	sst s2  }
0xb: {  	[smem:$0x3FB1] =	sst s3  }
0xc: {  	[smem:$0x3FB2] =	sst s4  }
0xd: {  	[smem:$0x3FB3] =	sst s5  }
0xe: {  	[smem:$0x3FB4] =	sst s6  }
0xf: {  	[smem:$0x3FB5] =	sst s7  }
0x10: {  	[smem:$0x3FB6] =	sst s8  }
0x11: {  	[smem:$0x3FB7] =	sst s9;
	s0 =	simm.s32 @!p0 $0x0  }
0x12: {  	s1 =	sld [smem:$0x3F9D];
	s0 =	simm.s32 @p0 $0x1  }
0x13: {  	[smem:$0x3FB8] =	sst s0;
	s0 =	simm.s32 @!p1 $0x0  }
0x14: {  	s2 =	sld [smem:$0x3F9C];
	s0 =	simm.s32 @p1 $0x1  }
0x15: {  	[smem:$0x3FB9] =	sst s0;
	s0 =	simm.s32 @!p2 $0x0  }
0x16: {  	s3 =	sld [smem:$0x3FDB];
	s0 =	simm.s32 @p2 $0x1  }
0x17: {  	s4 =	simm.s32 $0x1BF5;
	[smem:$0x3FBB] =	sst s0  }
0x18: {  	s0 =	sld [smem:$0x3F9E];
	_ =	swait.ge [sflag:s4], $0x0  }
0x19: {  	s7 =	sld [smem:$0x3F9F]  }
0x1a: {  	s8 =	sadd.s32 $0xFFFFE003, lr  }
0x1b: {  	s9 =	sadd.s32 $0xFFFFFEF7, lr;
	s5 =	simm.s32 $0xFFFFFFFF;
	p2 =	slt.u32 s8, $0xFFFFF086  }
0x1c: {  	p1 =	slt.u32 s9, $0xF7A;
	s5 =	simm.s32 @!p2 $0x0  }
0x1d: {  	s5 =	simm.s32 @p1 $0x1;
	p0 =	seq.s32 s7, s2  }
0x1e: {  	s7 =	smul.u32 @!p0 $0xF7A, s2;
	p2 =	seq.s32 @!p0 s5, $0x0  }
0x1f: {  	s9 =	smul.u32 $0xF7A, s1;
	s8 =	simm.s32 @!p0 $0x1BF5;
	p2 =	por !p2, p0  }
0x20: {  	[sflag:s8] =	ssyncset.s32 @!p0 $0xFFFFF086;
	s6 =	sadd.s32 @!p0 s3, s7;
	s7 =	simm.s32 @!p0 $0x108  }
0x21: {  	s3 =	sadd.s32 s3, s9;
	s6 =	sadd.s32 @!p0 $0x88, s6;
	s7 =	simm.s32 @p2 $0x1082  }
0x22: {  	[simem:s7], [sflag:s8] =	dma.local @!p0 [hbm:s6], $0xF7A  }
0x23: {  	s9 =	sor.u32 $0xD0000000, s2;
	s6 =	simm.s32 $0x108;
	_ =	swait.ge @!p0 [sflag:s8], $0x0  }
0x24: {  	s3 =	sadd.s32 $0x88, s3;
	s6 =	simm.s32 @!p1 $0x1082;
	[sflag:s4] =	ssyncset.s32 $0xFFFFF086  }
0x25: {  	[simem:s6], [sflag:s4] =	dma.local [hbm:s3], $0xF7A  }
0x26: {  	[smem:$0x3F9F] =	sst s1;
	(tag) =	ssettag s2;
	_ =	strace s9  }
0x27: {  	s1 =	sld [smem:$0x3FAF]  }
0x28: {  	s2 =	sld [smem:$0x3FB0]  }
0x29: {  	s4 =	sld [smem:$0x3FB2]  }
0x2a: {  	p0 =	seq.s32 s5, $0x0;
	s5 =	sld [smem:$0x3FB3]  }
0x2b: {  	s6 =	sld [smem:$0x3FB4]  }
0x2c: {  	s7 =	sld [smem:$0x3FB5]  }
0x2d: {  	s3 =	simm.s32 $0x108;
	s8 =	sld [smem:$0x3FB6]  }
0x2e: {  	s3 =	simm.s32 @!p0 $0x1082;
	s9 =	sld [smem:$0x3FB7]  }
0x2f: {  	lr =	sadd.s32 s0, s3;
	s0 =	sld [smem:$0x3FAE]  }
0x30: {  	s3 =	sld [smem:$0x3FB1]  }
0x31: {  	[smem:$0x3FBA] =	sst s10  }
0x32: {  	s10 =	sld [smem:$0x3FB8];
	_ =	sdelay $0x3  }
0x33: {  	p0 =	seq.s32 s10, $0x1;
	s10 =	sld [smem:$0x3FBA];
	_ =	sdelay $0x3  }
0x34: {  	[smem:$0x3FBA] =	sst s10  }
0x35: {  	s10 =	sld [smem:$0x3FB9];
	_ =	sdelay $0x3  }
0x36: {  	p1 =	seq.s32 s10, $0x1;
	s10 =	sld [smem:$0x3FBA];
	_ =	sdelay $0x3  }
0x37: {  	[smem:$0x3FBA] =	sst s10  }
0x38: {  	s10 =	sld [smem:$0x3FBB]  }
0x39: {  	_ = 	snop;
	(pc) =	sbr.ind lr, $3  }
0x3a: {  	_ = 	snop  }
0x3b: {  	_ = 	snop  }
0x3c: {  	p2 =	seq.s32 s10, $0x1;
	s10 =	sld [smem:$0x3FBA]  }
0x3d: {  	_ =	shalt  }
0x3e: {  	_ =	shalt  }
0x3f: {  	_ =	shalt  }
0x40: {  	_ =	shalt  }
0x41: {  	_ =	shalt  }
0x42: {  	_ =	shalt  }
0x43: {  	_ =	shalt  }
0x44: {  	_ =	shalt  }
0x45: {  	_ =	shalt  }
0x46: {  	_ =	shalt  }
0x47: {  	_ =	shalt  }
0x48: {  	_ =	shalt  }
0x49: {  	_ =	shalt  }
0x4a: {  	_ =	shalt  }
0x4b: {  	_ =	shalt  }
0x4c: {  	_ =	shalt  }
0x4d: {  	_ =	shalt  }
0x4e: {  	_ =	shalt  }
0x4f: {  	_ =	shalt  }
0x50: {  	_ =	shalt  }
0x51: {  	_ =	shalt  }
0x52: {  	_ =	shalt  }
0x53: {  	_ =	shalt  }
0x54: {  	_ =	shalt  }
0x55: {  	_ =	shalt  }
0x56: {  	_ =	shalt  }
0x57: {  	_ =	shalt  }
0x58: {  	_ =	shalt  }
0x59: {  	_ =	shalt  }
0x5a: {  	_ =	shalt  }
0x5b: {  	_ =	shalt  }
0x5c: {  	_ =	shalt  }
0x5d: {  	_ =	shalt  }
0x5e: {  	_ =	shalt  }
0x5f: {  	_ =	shalt  }
0x60: {  	_ =	shalt  }
0x61: {  	_ =	shalt  }
0x62: {  	_ =	shalt  }
0x63: {  	_ =	shalt  }
0x64: {  	_ =	shalt  }
0x65: {  	_ =	shalt  }
0x66: {  	_ =	shalt  }
0x67: {  	_ =	shalt  }
0x68: {  	_ =	shalt  }
0x69: {  	_ =	shalt  }
0x6a: {  	_ =	shalt  }
0x6b: {  	_ =	shalt  }
0x6c: {  	_ =	shalt  }
0x6d: {  	_ =	shalt  }
0x6e: {  	_ =	shalt  }
0x6f: {  	_ =	shalt  }
0x70: {  	_ =	shalt  }
0x71: {  	_ =	shalt  }
0x72: {  	_ =	shalt  }
0x73: {  	_ =	shalt  }
0x74: {  	_ =	shalt  }
0x75: {  	_ =	shalt  }
0x76: {  	_ =	shalt  }
0x77: {  	_ =	shalt  }
0x78: {  	_ =	shalt  }
0x79: {  	_ =	shalt  }
0x7a: {  	_ =	shalt  }
0x7b: {  	_ =	shalt  }
0x7c: {  	_ =	shalt  }
0x7d: {  	_ =	shalt  }
0x7e: {  	_ =	shalt  }
0x7f: {  	_ =	shalt  }
0x80: {  	_ =	shalt  }
0x81: {  	_ =	shalt  }
0x82: {  	_ =	shalt  }
0x83: {  	_ =	shalt  }
0x84: {  	_ =	shalt  }
0x85: {  	_ =	shalt  }
0x86: {  	_ =	shalt  }
0x87: {  	_ =	shalt  }
.Lfunc_end0:
.L_simem_size_0:
called_computation.2_lowered:
.L_overlay_start_0:
0x88: {  	s2 =	sld [smem:$0x3FD9]  }
0x89: {  	s3 =	sld [smem:$0x3FFE];
	_ =	sdelay $0x1  }
0x8a: {  	s1 =	srdreg.scid  }
0x8b: {  	s0 =	sand.u32 $0x1, s1  }
0x8c: {  	s17 =	sshll.u32 s0, $0xA;
	s2 =	sadd.s32 s3, s2  }
0x8d: {  	s2 =	sadd.s32 s2, s17  }
0x8e: {  	[smem:$0x3FC6] =	sst s2  }
0x8f: {  	_ = 	snop  }
0x90: {  	s2 =	sld [smem:$0x3FD0];
	(tm) =	ssettm $0x1  }
0x91: {  	s18 =	sld [smem:$0x3FFB];
	_ =	sdelay $0x3  }
0x92: {  	_ =	strace s18  }
0x93: {  	s3 =	sld [smem:$0x3FFC];
	_ =	sdelay $0x3  }
0x94: {  	_ =	strace s3  }
0x95: {  	s3 =	sld [smem:$0x3FFD];
	_ =	sdelay $0x3  }
0x96: {  	_ =	strace s3  }
0x97: {  	_ =	strace $0x8FFFFFFF  }
0x98: {  	s19 =	sld [smem:$0x3FDB];
	_ =	sdelay $0x1  }
0x99: {  	s4 =	simm.s32 $_scs_section_size  }
0x9a: {  	s5 =	simm.s32 $_size__tile_overlayer_lowered;
	s6 =	simm.s32 $_tile_overlayer_lowered  }
0x9b: {  	s22 =	simm.s32 $0x1BFF;
	s21 =	sshll.u32 s6, $0x1;
	s3 =	sadd.s32 s4, s19  }
0x9c: {  	s7 =	simm.s32 $0x0;
	s20 =	sshll.u32 s5, $0x1;
	s5 =	sadd.s32 s21, s3  }
0x9d: {  	[timem:s7], [sflag:s22] =	dma.local [hbm:s5], s20  }
0x9e: {  	_ =	swait.ge [sflag:s22], s20  }
0x9f: {  	s4 =	ssub.s32 $0x0, s20;
	[sflag:s22] =	ssyncset.done $0x0  }
0xa0: {  	[sflag:s22] =	ssyncadd.s32 s4;
	_ =	sdelay $0x1  }
0xa1: {  	s23 =	simm.s32 $0x1B8B  }
0xa2: {  	_ =	swait.ge [sflag:s23], $0x1  }
0xa3: {  	[sflag:s23] =	ssyncset.done $0x0  }
0xa4: {  	s25 =	simm.s32 $0x1B8E;
	s24 =	sld [smem:$0x3FFE];
	[sflag:s23] =	ssyncadd.s32 $0xFFFFFFFF  }
0xa5: {  	s26 =	simm.s32 $execute0_lowered;
	[smem:$0x3FD2] =	sst s25  }
0xa6: {  	s5 =	sshll.u32 s26, $0x1;
	_ =	strace $0x8000004C;
	[dreg:$0x1] =	wrdreg $0xFFFFFFFF  }
0xa7: {  	s28 =	simm.s32 $_size_execute0_lowered;
	s3 =	sadd.s32 s3, s5;
	[dreg:$0x0] =	wrdreg $0x0  }
0xa8: {  	s5 =	sshll.u32 s28, $0x1;
	[dreg:$0x2] =	wrdreg s3  }
0xa9: {  	[dreg:$0x3] =	wrdreg s5  }
0xaa: {  	[dreg:$0x4] =	wrdreg $0xC0  }
0xab: {  	_ =	task [dreg:s7], $0x5FFFF  }
0xac: {  	[dreg:$0x1] =	wrdreg $0xFFFFFFFF  }
0xad: {  	[dreg:$0x0] =	wrdreg $0x60  }
0xae: {  	[dreg:$0x2] =	wrdreg s2  }
0xaf: {  	[dreg:$0x3] =	wrdreg s24  }
0xb0: {  	[dreg:$0x4] =	wrdreg $0x9  }
0xb1: {  	_ =	task.clear_ibuf [dreg:s7], $0x5FFFF;
	_ =	strace $0x9000004C  }
0xb2: {  	s29 =	simm.s32 $0x9;
	_ =	strace $0x8000004E  }
0xb3: {  	_ =	swait.ge [sflag:s29], $0x1  }
0xb4: {  	[sflag:s29] =	ssyncadd.s32 $0xFFFFFFFF  }
0xb5: {  	_ =	strace $0x9000004E  }
0xb6: {  	_ =	sfence  }
0xb7: {  	s30 =	sld [smem:$0x0];
	_ =	sdelay $0x2  }
0xb8: {  	s31 =	sshll.u32 s1, $0xD;
	s1 =	sshrl.u32 s1, $0x2  }
0xb9: {  	s3 =	sand.u32 $0x4000, s31;
	s1 =	sadd.s32 s1, s30  }
0xba: {  	s0 =	sor.u32 s3, s0;
	s1 =	sshll.u32 s1, $0x11  }
0xbb: {  	s0 =	sor.u32 s1, s0  }
0xbc: {  	s0 =	sadd.s32 $0x8F2B, s0  }
0xbd: {  	[sflag:s0] =	ssyncadd.remote.s32 $0x1  }
0xbe: {  	_ =	sfence.sel $0xFFFF  }
0xbf: {  	[dreg:$0x0] =	wrdreg $0xFFFFFFFF;
	(pc) =	sbr.abs _section_cstart, $3  }
0xc0: {  	[dreg:$0x1] =	wrdreg $0xFFFFFFFF  }
0xc1: {  	_ =	task.clear_ibuf [dreg:s7], $0x2FFFF;
	_ =	strace $0x9FFFFFFF  }
0xc2: {  	(tm) =	ssettm $0x7FFFFFFF  }
0xc3: {  	_ =	shalt  }
tec
execute0_lowered:
.L_overlay_start_1:
0x0: {  	(tag) =	ssettag $0x1  }
0x1: {  	s0 =	rddreg [dreg:$0x1];
	s2 =	simm.s32 $0x0;
	s1 =	srdreg.scid  }
0x2: {  	s5 =	stileid.u32;
	s19 =	simm.s32 $0x3060;
	s20 =	simm.s32 $0x3468  }
0x3: {  	s21 =	simm.s32 $0x3870;
	s22 =	simm.s32 $0x3C78;
	s23 =	simm.s32 $0x1  }
0x4: {  	s24 =	simm.s32 $0x4080;
	s28 =	simm.s32 $0x4C98;
	s29 =	simm.s32 $0x50A0  }
0x5: {  	s30 =	simm.s32 $0x54A8;
	s31 =	simm.s32 $0x58B0;
	s7 =	simm.s32 $0x64C8  }
0x6: {  	s6 =	simm.s32 $0x70E0;
	s8 =	simm.s32 $0x74E8;
	s9 =	simm.s32 $0x78F0  }
0x7: {  	s10 =	simm.s32 $0x7CF8;
	s11 =	simm.s32 $0x8100;
	s13 =	simm.s32 $0x0  }
0x8: {  	[smem:$0x7FF] =	sst s2;
	s1 =	sand.u32 $0x1, s1;
	s4 =	sadd.s32 $0x1FFC00, s0  }
0x9: {  	s0 =	sadd.s32 $0x2FFC00, s0;
	s26 =	sshll.u32 s5, $0x4;
	s5 =	simm.s32 $0x6CD8  }
0xa: {  	_ =	strace $0x8000004D;
	s3 =	ssub.s32 $0x2, s1;
	s1 =	sshll.u32 s1, $0x3  }
0xb: {  	[dreg:$0x3] =	wrdreg s0;
	s25 =	sshrl.u32 s3, $0x1;
	s1 =	sor.u32 s1, s26  }
0xc: {  	v2 =	vlaneseq.u32;
	s26 =	simm.s32 $0x4890;
	s0 =	ssub.s32 s3, s25;
	[dreg:$0x4] =	wrdreg s1  }
0xd: {  	v1 =	vmul.u32 $0x408, v2;
	v2 =	vmul.u32 $0x1000, v2;
	s25 =	simm.s32 $0x4488;
	s3 =	simm.s32 $0x60C0;
	s0 =	smax.u32 s0, $0x1  }
0xe: {  	v0 =	vimm.f32 $0.0e+00;
	s1 =	simm.s32 $0x68D0;
	[dreg:$0x5] =	wrdreg s0;
	s0 =	simm.s32 $0x5CB8  }
.LBB2_1:
0xf: {  	[dreg:$0x6] =	wrdreg s13;
	s12 =	simm.s32 $0x0  }
.LBB2_2:
0x10: {  	s15 =	simm.s32 $0x0;
	s13 =	simm.s32 $0x40  }
.LBB2_3:
0x11: {  	p0 =	sne.s32 s13, $0x3FC0;
	[tilespmem:s15+$0x17100] =	vst v0  }
0x12: {  	[tilespmem:s15+$0x8100] =	vst v0  }
0x13: {  	[tilespmem:s15+$0x9100] =	vst v0  }
0x14: {  	[tilespmem:s15+$0xA100] =	vst v0  }
0x15: {  	[tilespmem:s15+$0xB100] =	vst v0  }
0x16: {  	[tilespmem:s15+$0xC100] =	vst v0  }
0x17: {  	[tilespmem:s15+$0xD100] =	vst v0  }
0x18: {  	[tilespmem:s15+$0xE100] =	vst v0  }
0x19: {  	[tilespmem:s15+$0xF100] =	vst v0  }
0x1a: {  	[tilespmem:s15+$0x10100] =	vst v0  }
0x1b: {  	[tilespmem:s15+$0x11100] =	vst v0  }
.Ltmp0:
0x1c: {  	[tilespmem:s15+$0x12100] =	vst v0;
	(pc) =	sbr.rel @p0 .LBB2_3-.Ltmp0, $4  }
0x1d: {  	[tilespmem:s15+$0x13100] =	vst v0  }
0x1e: {  	[tilespmem:s15+$0x14100] =	vst v0  }
0x1f: {  	[tilespmem:s15+$0x15100] =	vst v0  }
0x20: {  	[tilespmem:s15+$0x16100] =	vst v0;
	s15 =	sshra.s32 s13, $0x2;
	s13 =	sadd.s32 $0x40, s13  }
0x21: {  	[tilespmem:s15+$0x17100] =	vst v0  }
0x22: {  	[tilespmem:s15+$0x8100] =	vst v0  }
0x23: {  	[tilespmem:s15+$0x9100] =	vst v0  }
0x24: {  	[tilespmem:s15+$0xA100] =	vst v0  }
0x25: {  	[tilespmem:s15+$0xB100] =	vst v0  }
0x26: {  	[tilespmem:s15+$0xC100] =	vst v0  }
0x27: {  	[tilespmem:s15+$0xD100] =	vst v0  }
0x28: {  	[tilespmem:s15+$0xE100] =	vst v0  }
0x29: {  	[tilespmem:s15+$0xF100] =	vst v0  }
0x2a: {  	[tilespmem:s15+$0x10100] =	vst v0  }
0x2b: {  	[tilespmem:s15+$0x11100] =	vst v0  }
0x2c: {  	[tilespmem:s15+$0x12100] =	vst v0  }
0x2d: {  	[tilespmem:s15+$0x13100] =	vst v0;
	s13 =	rddreg [dreg:$0x4]  }
0x2e: {  	[tilespmem:s15+$0x14100] =	vst v0;
	s13 =	sadd.s32 s13, s12  }
0x2f: {  	[tilespmem:s15+$0x15100] =	vst v0;
	s17 =	rddreg [dreg:$0x0];
	s14 =	sshll.u32 s13, $0xC  }
0x30: {  	[tilespmem:s15+$0x16100] =	vst v0;
	s15 =	simm.s32 $0x0;
	s16 =	sadd.s32 s17, s14  }
0x31: {  	[tilespmem:s15], [sflag:$0x1] =	stream.linear.gather [hbm4b:s16+s15], $0x400, $0x38;
	[tilespmem:$0x18100] =	vst v63  }
0x32: {  	s18 =	simm.s32 $0x408;
	s17 =	sadd.s32 $0x100, s16  }
0x33: {  	[tilespmem:s18], [sflag:$0x1] =	stream.linear.gather [hbm4b:s17+s15], $0x400, $0x38;
	[tilespmem:$0x18100] =	vst v63  }
0x34: {  	s17 =	sadd.s32 $0x200, s16;
	s18 =	simm.s32 $0x810  }
0x35: {  	[tilespmem:s18], [sflag:$0x1] =	stream.linear.gather [hbm4b:s17+s15], $0x400, $0x38;
	[tilespmem:$0x18100] =	vst v63  }
0x36: {  	s17 =	sadd.s32 $0x300, s16;
	s18 =	simm.s32 $0xC18  }
0x37: {  	[tilespmem:s18], [sflag:$0x1] =	stream.linear.gather [hbm4b:s17+s15], $0x400, $0x38;
	[tilespmem:$0x18100] =	vst v63  }
0x38: {  	s17 =	sadd.s32 $0x400, s16;
	s18 =	simm.s32 $0x1020  }
0x39: {  	[tilespmem:s18], [sflag:$0x1] =	stream.linear.gather [hbm4b:s17+s15], $0x400, $0x38;
	[tilespmem:$0x18100] =	vst v63  }
0x3a: {  	s17 =	sadd.s32 $0x500, s16;
	s18 =	simm.s32 $0x1428  }
0x3b: {  	[tilespmem:s18], [sflag:$0x1] =	stream.linear.gather [hbm4b:s17+s15], $0x400, $0x38;
	[tilespmem:$0x18100] =	vst v63  }
0x3c: {  	s17 =	sadd.s32 $0x600, s16;
	s18 =	simm.s32 $0x1830  }
0x3d: {  	[tilespmem:s18], [sflag:$0x1] =	stream.linear.gather [hbm4b:s17+s15], $0x400, $0x38;
	[tilespmem:$0x18100] =	vst v63  }
0x3e: {  	s17 =	sadd.s32 $0x700, s16;
	s18 =	simm.s32 $0x1C38  }
0x3f: {  	[tilespmem:s18], [sflag:$0x1] =	stream.linear.gather [hbm4b:s17+s15], $0x400, $0x38;
	[tilespmem:$0x18100] =	vst v63  }
0x40: {  	s17 =	sadd.s32 $0x800, s16;
	s18 =	simm.s32 $0x2040  }
0x41: {  	[tilespmem:s18], [sflag:$0x1] =	stream.linear.gather [hbm4b:s17+s15], $0x400, $0x38;
	[tilespmem:$0x18100] =	vst v63  }
0x42: {  	s17 =	sadd.s32 $0x900, s16;
	s18 =	simm.s32 $0x2448  }
0x43: {  	[tilespmem:s18], [sflag:$0x1] =	stream.linear.gather [hbm4b:s17+s15], $0x400, $0x38;
	[tilespmem:$0x18100] =	vst v63  }
0x44: {  	s17 =	sadd.s32 $0xA00, s16;
	s18 =	simm.s32 $0x2850  }
0x45: {  	[tilespmem:s18], [sflag:$0x1] =	stream.linear.gather [hbm4b:s17+s15], $0x400, $0x38;
	[tilespmem:$0x18100] =	vst v63  }
0x46: {  	s17 =	sadd.s32 $0xB00, s16;
	s18 =	simm.s32 $0x2C58  }
0x47: {  	[tilespmem:s18], [sflag:$0x1] =	stream.linear.gather [hbm4b:s17+s15], $0x400, $0x38;
	[tilespmem:$0x18100] =	vst v63  }
0x48: {  	s18 =	sadd.s32 $0xC00, s16  }
0x49: {  	[tilespmem:s19], [sflag:$0x1] =	stream.linear.gather [hbm4b:s18+s15], $0x400, $0x38;
	[tilespmem:$0x18100] =	vst v63  }
0x4a: {  	s18 =	sadd.s32 $0xD00, s16  }
0x4b: {  	[tilespmem:s20], [sflag:$0x1] =	stream.linear.gather [hbm4b:s18+s15], $0x400, $0x38;
	[tilespmem:$0x18100] =	vst v63  }
0x4c: {  	s18 =	sadd.s32 $0xE00, s16  }
0x4d: {  	[tilespmem:s21], [sflag:$0x1] =	stream.linear.gather [hbm4b:s18+s15], $0x400, $0x38;
	[tilespmem:$0x18100] =	vst v63  }
0x4e: {  	s16 =	sadd.s32 $0xF00, s16  }
0x4f: {  	[tilespmem:s22], [sflag:$0x1] =	stream.linear.gather [hbm4b:s16+s15], $0x400, $0x38;
	[tilespmem:$0x18100] =	vst v63  }
0x50: {  	_ =	swait.ge [sflag:s23], $0x4000  }
0x51: {  	[sflag:s23] =	ssyncset.done $0x0  }
0x52: {  	s16 =	sadd.s32 s4, s14;
	[sflag:s23] =	ssyncadd.s32 $0xFFFFC000  }
0x53: {  	[tilespmem:s24], [sflag:$0x1] =	stream.linear.gather [hbm4b:s16+s15], $0x400, $0x38;
	[tilespmem:$0x18100] =	vst v63  }
0x54: {  	s18 =	sadd.s32 $0x100, s16  }
0x55: {  	[tilespmem:s25], [sflag:$0x1] =	stream.linear.gather [hbm4b:s18+s15], $0x400, $0x38;
	[tilespmem:$0x18100] =	vst v63  }
0x56: {  	s18 =	sadd.s32 $0x200, s16  }
0x57: {  	[tilespmem:s26], [sflag:$0x1] =	stream.linear.gather [hbm4b:s18+s15], $0x400, $0x38;
	[tilespmem:$0x18100] =	vst v63  }
0x58: {  	s18 =	sadd.s32 $0x300, s16  }
0x59: {  	[tilespmem:s28], [sflag:$0x1] =	stream.linear.gather [hbm4b:s18+s15], $0x400, $0x38;
	[tilespmem:$0x18100] =	vst v63  }
0x5a: {  	s18 =	sadd.s32 $0x400, s16  }
0x5b: {  	[tilespmem:s29], [sflag:$0x1] =	stream.linear.gather [hbm4b:s18+s15], $0x400, $0x38;
	[tilespmem:$0x18100] =	vst v63  }
0x5c: {  	s18 =	sadd.s32 $0x500, s16  }
0x5d: {  	[tilespmem:s30], [sflag:$0x1] =	stream.linear.gather [hbm4b:s18+s15], $0x400, $0x38;
	[tilespmem:$0x18100] =	vst v63  }
0x5e: {  	s18 =	sadd.s32 $0x600, s16  }
0x5f: {  	[tilespmem:s31], [sflag:$0x1] =	stream.linear.gather [hbm4b:s18+s15], $0x400, $0x38;
	[tilespmem:$0x18100] =	vst v63  }
0x60: {  	s18 =	sadd.s32 $0x700, s16  }
0x61: {  	[tilespmem:s0], [sflag:$0x1] =	stream.linear.gather [hbm4b:s18+s15], $0x400, $0x38;
	[tilespmem:$0x18100] =	vst v63  }
0x62: {  	s18 =	sadd.s32 $0x800, s16  }
0x63: {  	[tilespmem:s3], [sflag:$0x1] =	stream.linear.gather [hbm4b:s18+s15], $0x400, $0x38;
	[tilespmem:$0x18100] =	vst v63  }
0x64: {  	s18 =	sadd.s32 $0x900, s16  }
0x65: {  	[tilespmem:s7], [sflag:$0x1] =	stream.linear.gather [hbm4b:s18+s15], $0x400, $0x38;
	[tilespmem:$0x18100] =	vst v63  }
0x66: {  	s18 =	sadd.s32 $0xA00, s16  }
0x67: {  	[tilespmem:s1], [sflag:$0x1] =	stream.linear.gather [hbm4b:s18+s15], $0x400, $0x38;
	[tilespmem:$0x18100] =	vst v63  }
0x68: {  	s18 =	sadd.s32 $0xB00, s16  }
0x69: {  	[tilespmem:s5], [sflag:$0x1] =	stream.linear.gather [hbm4b:s18+s15], $0x400, $0x38;
	[tilespmem:$0x18100] =	vst v63  }
0x6a: {  	s18 =	sadd.s32 $0xC00, s16  }
0x6b: {  	[tilespmem:s6], [sflag:$0x1] =	stream.linear.gather [hbm4b:s18+s15], $0x400, $0x38;
	[tilespmem:$0x18100] =	vst v63  }
0x6c: {  	s18 =	sadd.s32 $0xD00, s16  }
0x6d: {  	[tilespmem:s8], [sflag:$0x1] =	stream.linear.gather [hbm4b:s18+s15], $0x400, $0x38;
	[tilespmem:$0x18100] =	vst v63  }
0x6e: {  	v3 =	vmov s15;
	s18 =	sadd.s32 $0xE00, s16  }
0x6f: {  	v3 =	vand.u32 $0x3FF, v3;
	[tilespmem:s9], [sflag:$0x1] =	stream.linear.gather [hbm4b:s18+s15], $0x400, $0x38;
	[tilespmem:$0x18100] =	vst v63  }
0x70: {  	v3 =	vadd.s32 v1, v3;
	s16 =	sadd.s32 $0xF00, s16  }
0x71: {  	[tilespmem:s10], [sflag:$0x1] =	stream.linear.gather [hbm4b:s16+s15], $0x400, $0x38;
	[tilespmem:$0x18100] =	vst v63  }
0x72: {  	_ =	swait.ge [sflag:s23], $0x4000  }
0x73: {  	[sflag:s23] =	ssyncset.done $0x0  }
0x74: {  	[sflag:s23] =	ssyncadd.s32 $0xFFFFC000  }
0x75: {  	v5 =	vld.idx.msk [tilespmem:v3+s2+$0x0], $0xffff;
	_ =	sdelay $0x3  }
0x76: {  	s18 =	simm.s32 $0x1  }
0x77: {  	v4 =	vmov s18;
	s15 =	simm.s32 $0x2;
	v3 =	vld.idx.msk [tilespmem:v3+s24+$0x0], $0xffff;
	v5 =	vand.u32 $0xFFF, v5  }
.LBB2_5:
0x78: {  	p0 =	sne.s32 s15, $0x3FF;
	v4 =	vand.u32 $0x3FF, v4;
	v5 =	vor.u32 v2, v5  }
0x79: {  	v6 =	vadd.s32 v1, v4;
	_ =	sdelay $0x3  }
0x7a: {  	[tilespmem:v5+s11+$0x0] =	vst.idx.msk $0xffff, v3  }
0x7b: {  	v5 =	vld.idx.msk [tilespmem:v6+s2+$0x0], $0xffff;
	_ =	sdelay $0x1  }
.Ltmp1:
0x7c: {  	(pc) =	sbr.rel @p0 .LBB2_5-.Ltmp1, $2  }
0x7d: {  	_ =	sdelay $0x2  }
0x7e: {  	v4 =	vmov s15;
	s15 =	sadd.s32 $0x1, s15;
	v5 =	vand.u32 $0xFFF, v5;
	v3 =	vld.idx.msk [tilespmem:v6+s24+$0x0], $0xffff  }
0x7f: {  	v4 =	vand.u32 $0x3FF, v4;
	v5 =	vor.u32 v2, v5  }
0x80: {  	v4 =	vadd.s32 v1, v4;
	_ =	sdelay $0x3  }
0x81: {  	[tilespmem:v5+s11+$0x0] =	vst.idx.msk $0xffff, v3  }
0x82: {  	v3 =	vld.idx.msk [tilespmem:v4+s2+$0x0], $0xffff;
	_ =	sdelay $0x4  }
0x83: {  	v3 =	vand.u32 $0xFFF, v3  }
0x84: {  	v4 =	vld.idx.msk [tilespmem:v4+s24+$0x0], $0xffff;
	v3 =	vor.u32 v2, v3;
	_ =	sdelay $0x3  }
0x85: {  	s15 =	sor.u32 $0x80, s14;
	s17 =	rddreg [dreg:$0x0]  }
0x86: {  	s14 =	simm.s32 $0x0;
	s16 =	sadd.s32 s17, s15;
	[tilespmem:v3+s11+$0x0] =	vst.idx.msk $0xffff, v4  }
0x87: {  	[tilespmem:s14], [sflag:$0x1] =	stream.linear.gather [hbm4b:s16+s14], $0x400, $0x38;
	[tilespmem:$0x18100] =	vst v63  }
0x88: {  	s18 =	simm.s32 $0x408;
	s17 =	sadd.s32 $0x100, s16  }
0x89: {  	[tilespmem:s18], [sflag:$0x1] =	stream.linear.gather [hbm4b:s17+s14], $0x400, $0x38;
	[tilespmem:$0x18100] =	vst v63  }
0x8a: {  	s17 =	sadd.s32 $0x200, s16;
	s18 =	simm.s32 $0x810  }
0x8b: {  	[tilespmem:s18], [sflag:$0x1] =	stream.linear.gather [hbm4b:s17+s14], $0x400, $0x38;
	[tilespmem:$0x18100] =	vst v63  }
0x8c: {  	s17 =	sadd.s32 $0x300, s16;
	s18 =	simm.s32 $0xC18  }
0x8d: {  	[tilespmem:s18], [sflag:$0x1] =	stream.linear.gather [hbm4b:s17+s14], $0x400, $0x38;
	[tilespmem:$0x18100] =	vst v63  }
0x8e: {  	s17 =	sadd.s32 $0x400, s16;
	s18 =	simm.s32 $0x1020  }
0x8f: {  	[tilespmem:s18], [sflag:$0x1] =	stream.linear.gather [hbm4b:s17+s14], $0x400, $0x38;
	[tilespmem:$0x18100] =	vst v63  }
0x90: {  	s17 =	sadd.s32 $0x500, s16;
	s18 =	simm.s32 $0x1428  }
0x91: {  	[tilespmem:s18], [sflag:$0x1] =	stream.linear.gather [hbm4b:s17+s14], $0x400, $0x38;
	[tilespmem:$0x18100] =	vst v63  }
0x92: {  	s17 =	sadd.s32 $0x600, s16;
	s18 =	simm.s32 $0x1830  }
0x93: {  	[tilespmem:s18], [sflag:$0x1] =	stream.linear.gather [hbm4b:s17+s14], $0x400, $0x38;
	[tilespmem:$0x18100] =	vst v63  }
0x94: {  	s17 =	sadd.s32 $0x700, s16;
	s18 =	simm.s32 $0x1C38  }
0x95: {  	[tilespmem:s18], [sflag:$0x1] =	stream.linear.gather [hbm4b:s17+s14], $0x400, $0x38;
	[tilespmem:$0x18100] =	vst v63  }
0x96: {  	s17 =	sadd.s32 $0x800, s16;
	s18 =	simm.s32 $0x2040  }
0x97: {  	[tilespmem:s18], [sflag:$0x1] =	stream.linear.gather [hbm4b:s17+s14], $0x400, $0x38;
	[tilespmem:$0x18100] =	vst v63  }
0x98: {  	s17 =	sadd.s32 $0x900, s16;
	s18 =	simm.s32 $0x2448  }
0x99: {  	[tilespmem:s18], [sflag:$0x1] =	stream.linear.gather [hbm4b:s17+s14], $0x400, $0x38;
	[tilespmem:$0x18100] =	vst v63  }
0x9a: {  	s17 =	sadd.s32 $0xA00, s16;
	s18 =	simm.s32 $0x2850  }
0x9b: {  	[tilespmem:s18], [sflag:$0x1] =	stream.linear.gather [hbm4b:s17+s14], $0x400, $0x38;
	[tilespmem:$0x18100] =	vst v63  }
0x9c: {  	s17 =	sadd.s32 $0xB00, s16;
	s18 =	simm.s32 $0x2C58  }
0x9d: {  	[tilespmem:s18], [sflag:$0x1] =	stream.linear.gather [hbm4b:s17+s14], $0x400, $0x38;
	[tilespmem:$0x18100] =	vst v63  }
0x9e: {  	s18 =	sadd.s32 $0xC00, s16  }
0x9f: {  	[tilespmem:s19], [sflag:$0x1] =	stream.linear.gather [hbm4b:s18+s14], $0x400, $0x38;
	[tilespmem:$0x18100] =	vst v63  }
0xa0: {  	s18 =	sadd.s32 $0xD00, s16  }
0xa1: {  	[tilespmem:s20], [sflag:$0x1] =	stream.linear.gather [hbm4b:s18+s14], $0x400, $0x38;
	[tilespmem:$0x18100] =	vst v63  }
0xa2: {  	s18 =	sadd.s32 $0xE00, s16  }
0xa3: {  	[tilespmem:s21], [sflag:$0x1] =	stream.linear.gather [hbm4b:s18+s14], $0x400, $0x38;
	[tilespmem:$0x18100] =	vst v63  }
0xa4: {  	s16 =	sadd.s32 $0xF00, s16  }
0xa5: {  	[tilespmem:s22], [sflag:$0x1] =	stream.linear.gather [hbm4b:s16+s14], $0x400, $0x38;
	[tilespmem:$0x18100] =	vst v63  }
0xa6: {  	_ =	swait.ge [sflag:s23], $0x4000  }
0xa7: {  	[sflag:s23] =	ssyncset.done $0x0  }
0xa8: {  	s15 =	sadd.s32 s4, s15;
	[sflag:s23] =	ssyncadd.s32 $0xFFFFC000  }
0xa9: {  	[tilespmem:s24], [sflag:$0x1] =	stream.linear.gather [hbm4b:s15+s14], $0x400, $0x38;
	[tilespmem:$0x18100] =	vst v63  }
0xaa: {  	s18 =	sadd.s32 $0x100, s15  }
0xab: {  	[tilespmem:s25], [sflag:$0x1] =	stream.linear.gather [hbm4b:s18+s14], $0x400, $0x38;
	[tilespmem:$0x18100] =	vst v63  }
0xac: {  	s17 =	sadd.s32 $0x200, s15  }
0xad: {  	[tilespmem:s26], [sflag:$0x1] =	stream.linear.gather [hbm4b:s17+s14], $0x400, $0x38;
	[tilespmem:$0x18100] =	vst v63  }
0xae: {  	s18 =	sadd.s32 $0x300, s15  }
0xaf: {  	[tilespmem:s28], [sflag:$0x1] =	stream.linear.gather [hbm4b:s18+s14], $0x400, $0x38;
	[tilespmem:$0x18100] =	vst v63  }
0xb0: {  	s17 =	sadd.s32 $0x400, s15  }
0xb1: {  	[tilespmem:s29], [sflag:$0x1] =	stream.linear.gather [hbm4b:s17+s14], $0x400, $0x38;
	[tilespmem:$0x18100] =	vst v63  }
0xb2: {  	s18 =	sadd.s32 $0x500, s15  }
0xb3: {  	[tilespmem:s30], [sflag:$0x1] =	stream.linear.gather [hbm4b:s18+s14], $0x400, $0x38;
	[tilespmem:$0x18100] =	vst v63  }
0xb4: {  	s17 =	sadd.s32 $0x600, s15  }
0xb5: {  	[tilespmem:s31], [sflag:$0x1] =	stream.linear.gather [hbm4b:s17+s14], $0x400, $0x38;
	[tilespmem:$0x18100] =	vst v63  }
0xb6: {  	s18 =	sadd.s32 $0x700, s15  }
0xb7: {  	[tilespmem:s0], [sflag:$0x1] =	stream.linear.gather [hbm4b:s18+s14], $0x400, $0x38;
	[tilespmem:$0x18100] =	vst v63  }
0xb8: {  	s17 =	sadd.s32 $0x800, s15  }
0xb9: {  	[tilespmem:s3], [sflag:$0x1] =	stream.linear.gather [hbm4b:s17+s14], $0x400, $0x38;
	[tilespmem:$0x18100] =	vst v63  }
0xba: {  	s18 =	sadd.s32 $0x900, s15  }
0xbb: {  	[tilespmem:s7], [sflag:$0x1] =	stream.linear.gather [hbm4b:s18+s14], $0x400, $0x38;
	[tilespmem:$0x18100] =	vst v63  }
0xbc: {  	s17 =	sadd.s32 $0xA00, s15  }
0xbd: {  	[tilespmem:s1], [sflag:$0x1] =	stream.linear.gather [hbm4b:s17+s14], $0x400, $0x38;
	[tilespmem:$0x18100] =	vst v63  }
0xbe: {  	s18 =	sadd.s32 $0xB00, s15  }
0xbf: {  	[tilespmem:s5], [sflag:$0x1] =	stream.linear.gather [hbm4b:s18+s14], $0x400, $0x38;
	[tilespmem:$0x18100] =	vst v63  }
0xc0: {  	s17 =	sadd.s32 $0xC00, s15  }
0xc1: {  	[tilespmem:s6], [sflag:$0x1] =	stream.linear.gather [hbm4b:s17+s14], $0x400, $0x38;
	[tilespmem:$0x18100] =	vst v63  }
0xc2: {  	s18 =	sadd.s32 $0xD00, s15  }
0xc3: {  	[tilespmem:s8], [sflag:$0x1] =	stream.linear.gather [hbm4b:s18+s14], $0x400, $0x38;
	[tilespmem:$0x18100] =	vst v63  }
0xc4: {  	v3 =	vmov s14;
	s17 =	sadd.s32 $0xE00, s15  }
0xc5: {  	v3 =	vand.u32 $0x3FF, v3;
	[tilespmem:s9], [sflag:$0x1] =	stream.linear.gather [hbm4b:s17+s14], $0x400, $0x38;
	[tilespmem:$0x18100] =	vst v63  }
0xc6: {  	v3 =	vadd.s32 v1, v3;
	s15 =	sadd.s32 $0xF00, s15  }
0xc7: {  	[tilespmem:s10], [sflag:$0x1] =	stream.linear.gather [hbm4b:s15+s14], $0x400, $0x38;
	[tilespmem:$0x18100] =	vst v63  }
0xc8: {  	_ =	swait.ge [sflag:s23], $0x4000  }
0xc9: {  	[sflag:s23] =	ssyncset.done $0x0  }
0xca: {  	[sflag:s23] =	ssyncadd.s32 $0xFFFFC000  }
0xcb: {  	v5 =	vld.idx.msk [tilespmem:v3+s2+$0x0], $0xffff;
	_ =	sdelay $0x3  }
0xcc: {  	s18 =	simm.s32 $0x1  }
0xcd: {  	v4 =	vmov s18;
	s14 =	simm.s32 $0x2;
	v3 =	vld.idx.msk [tilespmem:v3+s24+$0x0], $0xffff;
	v5 =	vand.u32 $0xFFF, v5  }
.LBB2_7:
0xce: {  	p0 =	sne.s32 s14, $0x3FF;
	v4 =	vand.u32 $0x3FF, v4;
	v5 =	vor.u32 v2, v5  }
0xcf: {  	v6 =	vadd.s32 v1, v4;
	_ =	sdelay $0x3  }
0xd0: {  	[tilespmem:v5+s11+$0x0] =	vst.idx.msk $0xffff, v3  }
0xd1: {  	v5 =	vld.idx.msk [tilespmem:v6+s2+$0x0], $0xffff;
	_ =	sdelay $0x1  }
.Ltmp2:
0xd2: {  	(pc) =	sbr.rel @p0 .LBB2_7-.Ltmp2, $2  }
0xd3: {  	_ =	sdelay $0x2  }
0xd4: {  	v4 =	vmov s14;
	s14 =	sadd.s32 $0x1, s14;
	v5 =	vand.u32 $0xFFF, v5;
	v3 =	vld.idx.msk [tilespmem:v6+s24+$0x0], $0xffff  }
0xd5: {  	v4 =	vand.u32 $0x3FF, v4;
	v5 =	vor.u32 v2, v5  }
0xd6: {  	v4 =	vadd.s32 v1, v4;
	_ =	sdelay $0x3  }
0xd7: {  	[tilespmem:v5+s11+$0x0] =	vst.idx.msk $0xffff, v3  }
0xd8: {  	v3 =	vld.idx.msk [tilespmem:v4+s2+$0x0], $0xffff;
	_ =	sdelay $0x4  }
0xd9: {  	v3 =	vand.u32 $0xFFF, v3  }
0xda: {  	v4 =	vld.idx.msk [tilespmem:v4+s24+$0x0], $0xffff;
	v3 =	vor.u32 v2, v3;
	_ =	sdelay $0x2  }
0xdb: {  	s12 =	sadd.s32 $0x1, s12  }
0xdc: {  	s13 =	sshll.u32 s13, $0xD;
	s14 =	rddreg [dreg:$0x3];
	p0 =	sne.s32 s12, $0x8  }
.Ltmp3:
0xdd: {  	s13 =	sadd.s32 s14, s13;
	[tilespmem:v3+s11+$0x0] =	vst.idx.msk $0xffff, v4;
	(pc) =	sbr.rel @p0 .LBB2_2-.Ltmp3, $4  }
0xde: {  	[hbm4b:s13+s2] =	stream.linear.scatter [tilespmem:s11], [sflag:$0x1], $0x10000, $0x38;
	[tilespmem:$0x18100] =	vst v63  }
0xdf: {  	_ =	swait.ge [sflag:s23], $0x10000  }
0xe0: {  	[sflag:s23] =	ssyncset.done $0x0  }
0xe1: {  	[sflag:s23] =	ssyncadd.s32 $0xFFFF0000  }
0xe2: {  	s13 =	rddreg [dreg:$0x6]  }
0xe3: {  	s12 =	rddreg [dreg:$0x5];
	s13 =	sadd.s32 $0x1, s13  }
0xe4: {  	p0 =	sne.s32 s13, s12  }
.Ltmp4:
0xe5: {  	_ = 	snop;
	(pc) =	sbr.rel @p0 .LBB2_1-.Ltmp4, $1  }
0xe6: {  	_ =	sdelay $0x3  }
0xe7: {  	_ =	sfence.sel $0x180000  }
0xe8: {  	[bflag:$0x0] =	sbarrier.arrive $0xFFFF  }
0xe9: {  	_ =	strace $0x9000004D  }
0xea: {  	s0 =	stileid.u32;
	[bflag:$0x2] =	sbarrier.arrive $0xFFFF  }
0xeb: {  	p0 =	sne.s32 s0, $0x0;
	s0 =	rddreg [dreg:$0x2]  }
0xec: {  	s0 =	sadd.s32 @!p0 $0x100000, s0  }
0xed: {  	[sflag:s0] =	ssyncadd.tile.s32 @!p0 $0x1;
	_ =	shalt  }
.Lfunc_end2:
_tile_overlayer_lowered:
.L_overlay_start_2:
0xee: {  	(tag) =	ssettag $0x2  }
0xef: {  	s0 =	rddreg [dreg:$0x0];
	s2 =	stileid.u32  }
0xf0: {  	s1 =	rddreg [dreg:$0x1];
	p0 =	sne.s32 s2, $0x0  }
0xf1: {  	s3 =	rddreg [dreg:$0x2];
	[bflag:$0x3] =	sbarrier.arrive $0xFFFF;
	s2 =	simm.s32 @!p0 $0x1C01  }
0xf2: {  	[timem:s3], [sflag:s2] =	dma.local @!p0 [hbm:s0], s1  }
0xf3: {  	s0 =	simm.s32 @!p0 $0x1  }
0xf4: {  	_ =	swait.ge @!p0 [sflag:s0], s1  }
0xf5: {  	s1 =	ssub.s32 @!p0 $0x0, s1;
	[sflag:s0] =	ssyncset.done @!p0 $0x0  }
0xf6: {  	[sflag:s0] =	ssyncadd.s32 @!p0 s1  }
0xf7: {  	[bflag:$0x3] =	sbarrier.arrive $0xFFFF  }
0xf8: {  	_ =	shalt  }

// kernel: sparse-core-data-format-call.1.cloned.1.call-start
scs
called_computation.1_lowered:
.L_overlay_start_0:
0x0: {  	s2 =	sld [smem:$0x3FD9]  }
0x1: {  	s3 =	sld [smem:$0x3FFE];
	_ =	sdelay $0x1  }
0x2: {  	s1 =	srdreg.scid  }
0x3: {  	s0 =	sand.u32 $0x1, s1  }
0x4: {  	s18 =	sshll.u32 s0, $0xA;
	s2 =	sadd.s32 s3, s2  }
0x5: {  	s2 =	sadd.s32 s2, s18  }
0x6: {  	[smem:$0x3FC6] =	sst s2  }
0x7: {  	_ = 	snop  }
0x8: {  	s19 =	sld [smem:$0x3FD0];
	(tm) =	ssettm $0x1  }
0x9: {  	s20 =	sld [smem:$0x3FFB];
	_ =	sdelay $0x3  }
0xa: {  	_ =	strace s20  }
0xb: {  	s2 =	sld [smem:$0x3FFC];
	_ =	sdelay $0x3  }
0xc: {  	_ =	strace s2  }
0xd: {  	s2 =	sld [smem:$0x3FFD];
	_ =	sdelay $0x3  }
0xe: {  	_ =	strace s2  }
0xf: {  	_ =	strace $0x8FFFFFFF  }
0x10: {  	s21 =	sld [smem:$0x3FDB];
	_ =	sdelay $0x1  }
0x11: {  	s4 =	simm.s32 $_scs_section_size  }
0x12: {  	s5 =	simm.s32 $_size__tile_overlayer_lowered;
	s6 =	simm.s32 $_tile_overlayer_lowered  }
0x13: {  	s7 =	simm.s32 $0x1BFF;
	s22 =	sshll.u32 s6, $0x1;
	s4 =	sadd.s32 s4, s21  }
0x14: {  	s23 =	simm.s32 $0x0;
	s5 =	sshll.u32 s5, $0x1;
	s6 =	sadd.s32 s22, s4  }
0x15: {  	[timem:s23], [sflag:s7] =	dma.local [hbm:s6], s5  }
0x16: {  	_ =	swait.ge [sflag:s7], s5  }
0x17: {  	s5 =	ssub.s32 $0x0, s5;
	[sflag:s7] =	ssyncset.done $0x0  }
0x18: {  	[sflag:s7] =	ssyncadd.s32 s5;
	_ =	sdelay $0x1  }
0x19: {  	s24 =	simm.s32 $0x1B8B  }
0x1a: {  	_ =	swait.ge [sflag:s24], $0x1  }
0x1b: {  	[sflag:s24] =	ssyncset.done $0x0  }
0x1c: {  	[sflag:s24] =	ssyncadd.s32 $0xFFFFFFFF  }
0x1d: {  	s5 =	sld [smem:$0x0]  }
0x1e: {  	s6 =	sand.u32 $0xFFFFFFFE, s1  }
0x1f: {  	p0 =	sne.s32 s1, s6  }
0x20: {  	s6 =	sshll.u32 @p0 s6, $0xE  }
0x21: {  	s6 =	sadd.s32 @p0 $0x11B8D, s6;
	s7 =	sshll.u32 @p0 s5, $0x11  }
0x22: {  	s6 =	sor.u32 @p0 s7, s6  }
0x23: {  	[sflag:s6] =	ssyncadd.remote.s32 @p0 $0x1;
	_ =	sdelay $0x1  }
0x24: {  	s6 =	simm.s32 @p0 $0x1B8D  }
0x25: {  	_ =	swait.eq @p0 [sflag:s6], $0x1  }
0x26: {  	[sflag:s6] =	ssyncadd.s32 @p0 $0xFFFFFFFF  }
0x27: {  	s7 =	sshll.u32 @!p0 s1, $0xE  }
0x28: {  	s7 =	sor.u32 @!p0 $0x4000, s7;
	s6 =	simm.s32 @!p0 $0x1B8D  }
0x29: {  	s5 =	sshll.u32 @!p0 s5, $0x11;
	s7 =	sadd.s32 @!p0 $0x11B8D, s7;
	_ =	swait.eq @!p0 [sflag:s6], $0x1  }
0x2a: {  	s5 =	sor.u32 @!p0 s5, s7;
	[sflag:s6] =	ssyncadd.s32 @!p0 $0xFFFFFFFF  }
0x2b: {  	s26 =	simm.s32 $0x1B8E;
	s25 =	sld [smem:$0x3FFE];
	[sflag:s5] =	ssyncadd.remote.s32 @!p0 $0x1  }
0x2c: {  	s27 =	simm.s32 $execute0_lowered;
	[smem:$0x3FD2] =	sst s26  }
0x2d: {  	s6 =	sshll.u32 s27, $0x1;
	_ =	strace $0x80000049;
	[dreg:$0x1] =	wrdreg $0xFFFFFFFF  }
0x2e: {  	s28 =	simm.s32 $_size_execute0_lowered;
	s4 =	sadd.s32 s4, s6;
	[dreg:$0x0] =	wrdreg $0x0  }
0x2f: {  	s6 =	sshll.u32 s28, $0x1;
	[dreg:$0x2] =	wrdreg s4  }
0x30: {  	[dreg:$0x3] =	wrdreg s6  }
0x31: {  	[dreg:$0x4] =	wrdreg $0xC0  }
0x32: {  	_ =	task [dreg:s23], $0x5FFFF  }
0x33: {  	[dreg:$0x1] =	wrdreg $0xFFFFFFFF  }
0x34: {  	[dreg:$0x0] =	wrdreg $0x60  }
0x35: {  	[dreg:$0x2] =	wrdreg s25  }
0x36: {  	[dreg:$0x3] =	wrdreg s19  }
0x37: {  	[dreg:$0x4] =	wrdreg $0xA  }
0x38: {  	_ =	task.clear_ibuf [dreg:s23], $0x5FFFF;
	_ =	strace $0x90000049  }
0x39: {  	s29 =	simm.s32 $0xA;
	_ =	strace $0x8000004B  }
0x3a: {  	_ =	swait.ge [sflag:s29], $0x1  }
0x3b: {  	[sflag:s29] =	ssyncadd.s32 $0xFFFFFFFF  }
0x3c: {  	_ =	strace $0x9000004B  }
0x3d: {  	_ =	sfence  }
0x3e: {  	s30 =	sld [smem:$0x0];
	_ =	sdelay $0x2  }
0x3f: {  	s31 =	sshll.u32 s1, $0xD;
	s1 =	sshrl.u32 s1, $0x2  }
0x40: {  	s4 =	sand.u32 $0x4000, s31;
	s1 =	sadd.s32 s1, s30  }
0x41: {  	s0 =	sor.u32 s4, s0;
	s1 =	sshll.u32 s1, $0x11  }
0x42: {  	s0 =	sor.u32 s1, s0  }
0x43: {  	s0 =	sadd.s32 $0x8F2B, s0  }
0x44: {  	[sflag:s0] =	ssyncadd.remote.s32 $0x1  }
0x45: {  	_ =	sfence.sel $0xFFFF  }
0x46: {  	[dreg:$0x0] =	wrdreg $0xFFFFFFFF;
	(pc) =	sbr.abs _section_cstart, $3  }
0x47: {  	[dreg:$0x1] =	wrdreg $0xFFFFFFFF  }
0x48: {  	_ =	task.clear_ibuf [dreg:s23], $0x2FFFF;
	_ =	strace $0x9FFFFFFF  }
0x49: {  	(tm) =	ssettm $0x7FFFFFFF  }
tec
execute0_lowered:
.L_overlay_start_1:
0x0: {  	(tag) =	ssettag $0x1  }
0x1: {  	s1 =	rddreg [dreg:$0x0]  }
0x2: {  	s2 =	rddreg [dreg:$0x1]  }
0x3: {  	s0 =	rddreg [dreg:$0x2];
	_ =	strace $0x8000004A;
	s4 =	srdreg.scid  }
.Ltmp0:
0x4: {  	s6 =	simm.s32 $0x2;
	p0 =	por $0x0, $0x0;
	(pc) =	sbr.rel .LBB1_1-.Ltmp0, $4  }
0x5: {  	s9 =	simm.s32 $0x0;
	s3 =	sadd.s32 $0x2FFC00, s1;
	s5 =	sshll.u32 s4, $0x4  }
0x6: {  	s1 =	stileid.u32;
	s4 =	simm.s32 $0x1;
	s5 =	sand.u32 $0x10, s5  }
0x7: {  	s7 =	simm.s32 $0x0;
	[sflag:s4] =	ssyncpa.u1 $0x0;
	s5 =	sor.u32 s1, s5  }
0x8: {  	[sflag:s6] =	ssyncpa.u1 $0x0;
	s6 =	simm.s32 $0x0;
	s8 =	smov.u32 s5  }
.LBB1_7:
0x9: {  	s11 =	sadd.s32 $0x20, s8  }
0xa: {  	p1 =	slt.u32 s7, $0x2;
	s7 =	sadd.s32 $0x1, s7;
	p2 =	sgt.s32 s11, $0x1FF  }
0xb: {  	s11 =	smov.u32 @p2 s5;
	p2 =	sne.s32 s7, $0x12  }
.Ltmp1:
0xc: {  	_ = 	snop;
	(pc) =	sbr.rel @!p2 .LBB1_8-.Ltmp1, $4  }
0xd: {  	s10 =	simm.s32 @!p1 $0x2  }
0xe: {  	_ =	swait.ge @!p1 [sflag:s10], $0x4000  }
0xf: {  	s9 =	smov.u32 s8;
	[sflag:s10] =	ssyncset.done @!p1 $0x0  }
0x10: {  	p0 =	por !p0, !p0;
	s8 =	smov.u32 s11;
	[sflag:s10] =	ssyncadd.s32 @!p1 $0xFFFFC000  }
.LBB1_1:
0x11: {  	p1 =	sgt.u32 s7, $0xF  }
0x12: {  	s10 =	sxor.u32 @!p1 $0xFFFFFFFF, s7  }
0x13: {  	s11 =	sshll.u32 @!p1 s8, $0xB;
	s10 =	sshll.u32 @!p1 s10, $0xE  }
0x14: {  	s12 =	simm.s32 @!p1 $0x0;
	s11 =	sadd.s32 @!p1 s3, s11;
	s10 =	sand.u32 @!p1 $0x4000, s10  }
0x15: {  	[tilespmem:s10], [sflag:$0x1] =	stream.linear.gather @!p1 [hbm4b:s11+s12], $0x4000, $0x38;
	[tilespmem:$0x10000] =	vst v63  }
0x16: {  	p1 =	seq.s32 s7, $0x0  }
0x17: {  	p2 =	seq.s32 @!p1 s7, $0x11  }
0x18: {  	p1 =	por p1, p2  }
.Ltmp2:
0x19: {  	_ = 	snop;
	(pc) =	sbr.rel @p1 .LBB1_7-.Ltmp2, $1  }
0x1a: {  	_ =	sdelay $0x3  }
0x1b: {  	s10 =	simm.s32 $0x1;
	_ =	swait.ge [sflag:s4], $0x4000;
	s12 =	sshll.u32 s7, $0xE  }
0x1c: {  	s13 =	simm.s32 $0x0;
	s10 =	simm.s32 @!p0 $0x0;
	[sflag:s4] =	ssyncset.done $0x0  }
0x1d: {  	s12 =	sand.u32 $0x4000, s12;
	s11 =	sshll.u32 s10, $0xE;
	[sflag:s4] =	ssyncadd.s32 $0xFFFFC000  }
0x1e: {  	s12 =	sor.u32 $0x8000, s12;
	s10 =	sor.u32 $0x8040, s11;
	s11 =	sor.u32 $0x40, s11  }
.LBB1_3:
0x1f: {  	v0 =	vmov s11;
	_ =	sdelay $0x3  }
0x20: {  	s15 =	simm.s32 $0x0  }
0x21: {  	v6 =	vld.idx.msk [tilespmem:v0+s15+$0x30 ss:$0x1], $0xffff  }
0x22: {  	v7 =	vld.idx.msk [tilespmem:v0+s15+$0xFFFFFFC0 ss:$0x1], $0xffff  }
0x23: {  	v5 =	vld.idx.msk [tilespmem:v0+s15+$0xFFFFFFD0 ss:$0x1], $0xffff  }
0x24: {  	v4 =	vld.idx.msk [tilespmem:v0+s15+$0xFFFFFFE0 ss:$0x1], $0xffff  }
0x25: {  	v3 =	vld.idx.msk [tilespmem:v0+s15+$0xFFFFFFF0 ss:$0x1], $0xffff  }
0x26: {  	v1 =	vld.idx.msk [tilespmem:v0+s15+$0x0 ss:$0x1], $0xffff  }
0x27: {  	v2 =	vld.idx.msk [tilespmem:v0+s15+$0x10 ss:$0x1], $0xffff;
	[tilespmem:s10+$0x30] =	vst v6  }
0x28: {  	s14 =	simm.s32 $0x80;
	s16 =	simm.s32 $0x400;
	[tilespmem:s10+$0xFFFFFFC0] =	vst v7;
	v6 =	vld.idx.msk [tilespmem:v0+s15+$0x20 ss:$0x1], $0xffff;
	s15 =	smov.u32 s10  }
.LBB1_4:
0x29: {  	p1 =	sne.s32 s16, $0xE00;
	v7 =	vld.idx.msk [tilespmem:v0+s14+$0x30 ss:$0x1], $0xffff;
	[tilespmem:s15+$0xFFFFFFD0] =	vst v5  }
0x2a: {  	v8 =	vld.idx.msk [tilespmem:v0+s14+$0xFFFFFFC0 ss:$0x1], $0xffff;
	[tilespmem:s15+$0xFFFFFFE0] =	vst v4  }
0x2b: {  	v5 =	vld.idx.msk [tilespmem:v0+s14+$0xFFFFFFD0 ss:$0x1], $0xffff;
	[tilespmem:s15+$0xFFFFFFF0] =	vst v3  }
.Ltmp3:
0x2c: {  	v4 =	vld.idx.msk [tilespmem:v0+s14+$0xFFFFFFE0 ss:$0x1], $0xffff;
	[tilespmem:s15+$0x0] =	vst v1;
	(pc) =	sbr.rel @p1 .LBB1_4-.Ltmp3, $4  }
0x2d: {  	v3 =	vld.idx.msk [tilespmem:v0+s14+$0xFFFFFFF0 ss:$0x1], $0xffff;
	[tilespmem:s15+$0x10] =	vst v2  }
0x2e: {  	v1 =	vld.idx.msk [tilespmem:v0+s14+$0x0 ss:$0x1], $0xffff;
	[tilespmem:s15+$0x20] =	vst v6;
	s15 =	sadd.s32 $0x800, s15  }
0x2f: {  	v2 =	vld.idx.msk [tilespmem:v0+s14+$0x10 ss:$0x1], $0xffff;
	[tilespmem:s15+$0x30] =	vst v7  }
0x30: {  	[tilespmem:s15+$0xFFFFFFC0] =	vst v8;
	v6 =	vld.idx.msk [tilespmem:v0+s14+$0x20 ss:$0x1], $0xffff;
	s14 =	sshra.s32 s16, $0x2;
	s16 =	sadd.s32 $0x200, s16  }
0x31: {  	_ =	sdelay $0x2  }
0x32: {  	[tilespmem:s15+$0xFFFFFFD0] =	vst v5  }
0x33: {  	v56 =	vld.idx.msk [tilespmem:v0+s14+$0x30 ss:$0x1], $0xffff;
	[tilespmem:s15+$0xFFFFFFE0] =	vst v4  }
0x34: {  	v57 =	vld.idx.msk [tilespmem:v0+s14+$0xFFFFFFC0 ss:$0x1], $0xffff;
	[tilespmem:s15+$0xFFFFFFF0] =	vst v3  }
0x35: {  	v58 =	vld.idx.msk [tilespmem:v0+s14+$0xFFFFFFD0 ss:$0x1], $0xffff;
	[tilespmem:s15+$0x0] =	vst v1  }
0x36: {  	v59 =	vld.idx.msk [tilespmem:v0+s14+$0xFFFFFFE0 ss:$0x1], $0xffff;
	[tilespmem:s15+$0x10] =	vst v2  }
0x37: {  	v60 =	vld.idx.msk [tilespmem:v0+s14+$0xFFFFFFF0 ss:$0x1], $0xffff;
	s31 =	sadd.s32 $0x800, s15;
	[tilespmem:s15+$0x20] =	vst v6  }
0x38: {  	v61 =	vld.idx.msk [tilespmem:v0+s14+$0x0 ss:$0x1], $0xffff;
	[tilespmem:s31+$0x30] =	vst v56  }
0x39: {  	v62 =	vld.idx.msk [tilespmem:v0+s14+$0x10 ss:$0x1], $0xffff;
	s13 =	sadd.s32 $0x1, s13;
	[tilespmem:s31+$0xFFFFFFC0] =	vst v57  }
0x3a: {  	v63 =	vld.idx.msk [tilespmem:v0+s14+$0x20 ss:$0x1], $0xffff;
	p1 =	sne.s32 s13, $0x10;
	[tilespmem:s31+$0xFFFFFFD0] =	vst v58  }
.Ltmp4:
0x3b: {  	[tilespmem:s31+$0xFFFFFFE0] =	vst v59;
	(pc) =	sbr.rel @p1 .LBB1_3-.Ltmp4, $4  }
0x3c: {  	[tilespmem:s31+$0xFFFFFFF0] =	vst v60  }
0x3d: {  	[tilespmem:s31+$0x0] =	vst v61  }
0x3e: {  	[tilespmem:s31+$0x10] =	vst v62  }
0x3f: {  	s10 =	sadd.s32 $0x80, s10;
	s11 =	sadd.s32 $0x400, s11;
	[tilespmem:s31+$0x20] =	vst v63  }
.Ltmp5:
0x40: {  	(pc) =	sbr.rel .LBB1_7-.Ltmp5, $4  }
0x41: {  	_ = 	snop  }
0x42: {  	s9 =	sshll.u32 s9, $0xB  }
0x43: {  	s9 =	sadd.s32 s2, s9  }
0x44: {  	[hbm4b:s9+s6] =	stream.linear.scatter [tilespmem:s12], [sflag:$0x2], $0x4000, $0x38;
	[tilespmem:$0x10000] =	vst v63  }
.LBB1_8:
0x45: {  	_ =	sfence.sel $0x180000  }
0x46: {  	s2 =	simm.s32 $0x1;
	[bflag:$0x0] =	sbarrier.arrive $0xFFFF  }
0x47: {  	s31 =	simm.s32 $0x2;
	[sflag:s2] =	ssyncpa.u1 $0x1  }
0x48: {  	[sflag:s31] =	ssyncpa.u1 $0x1  }
0x49: {  	p0 =	sne.s32 s1, $0x0;
	_ =	strace $0x9000004A  }
0x4a: {  	s0 =	sadd.s32 @!p0 $0x100000, s0;
	[bflag:$0x2] =	sbarrier.arrive $0xFFFF  }
0x4b: {  	[sflag:s0] =	ssyncadd.tile.s32 @!p0 $0x1;
	_ =	shalt  }
.Lfunc_end1:
_tile_overlayer_lowered:
.L_overlay_start_2:
0x4c: {  	(tag) =	ssettag $0x2  }
0x4d: {  	s0 =	rddreg [dreg:$0x0];
	s2 =	stileid.u32  }
0x4e: {  	s1 =	rddreg [dreg:$0x1];
	p0 =	sne.s32 s2, $0x0  }
0x4f: {  	s3 =	rddreg [dreg:$0x2];
	[bflag:$0x3] =	sbarrier.arrive $0xFFFF;
	s2 =	simm.s32 @!p0 $0x1C01  }
0x50: {  	[timem:s3], [sflag:s2] =	dma.local @!p0 [hbm:s0], s1  }
0x51: {  	s0 =	simm.s32 @!p0 $0x1  }
0x52: {  	_ =	swait.ge @!p0 [sflag:s0], s1  }
0x53: {  	s1 =	ssub.s32 @!p0 $0x0, s1;
	[sflag:s0] =	ssyncset.done @!p0 $0x0  }
0x54: {  	[sflag:s0] =	ssyncadd.s32 @!p0 s1  }
0x55: {  	[bflag:$0x3] =	sbarrier.arrive $0xFFFF  }
0x56: {  	_ =	shalt  }

// kernel: sparse-core-data-format-call.cloned.1.call-start
scs
called_computation_lowered:
.L_overlay_start_0:
0x0: {  	s1 =	sld [smem:$0x3FD9]  }
0x1: {  	s2 =	sld [smem:$0x3FFE];
	_ =	sdelay $0x1  }
0x2: {  	s3 =	srdreg.scid  }
0x3: {  	s0 =	sand.u32 $0x1, s3  }
0x4: {  	s17 =	sshll.u32 s0, $0xA;
	s1 =	sadd.s32 s2, s1  }
0x5: {  	s1 =	sadd.s32 s1, s17  }
0x6: {  	[smem:$0x3FC6] =	sst s1  }
0x7: {  	_ = 	snop  }
0x8: {  	(tm) =	ssettm $0x1  }
0x9: {  	s18 =	sld [smem:$0x3FFB];
	_ =	sdelay $0x3  }
0xa: {  	_ =	strace s18  }
0xb: {  	s1 =	sld [smem:$0x3FFC];
	_ =	sdelay $0x3  }
0xc: {  	_ =	strace s1  }
0xd: {  	s1 =	sld [smem:$0x3FFD];
	_ =	sdelay $0x3  }
0xe: {  	_ =	strace s1  }
0xf: {  	_ =	strace $0x8FFFFFFF  }
0x10: {  	s19 =	sld [smem:$0x3FDB];
	_ =	sdelay $0x1  }
0x11: {  	s20 =	simm.s32 $_scs_section_size  }
0x12: {  	s4 =	simm.s32 $_size__tile_overlayer_lowered;
	s5 =	simm.s32 $_tile_overlayer_lowered  }
0x13: {  	s23 =	simm.s32 $0x1BFF;
	s22 =	sshll.u32 s5, $0x1;
	s1 =	sadd.s32 s20, s19  }
0x14: {  	s6 =	simm.s32 $0x0;
	s21 =	sshll.u32 s4, $0x1;
	s4 =	sadd.s32 s22, s1  }
0x15: {  	[timem:s6], [sflag:s23] =	dma.local [hbm:s4], s21  }
0x16: {  	_ =	swait.ge [sflag:s23], s21  }
0x17: {  	s2 =	ssub.s32 $0x0, s21;
	[sflag:s23] =	ssyncset.done $0x0  }
0x18: {  	[sflag:s23] =	ssyncadd.s32 s2;
	_ =	sdelay $0x1  }
0x19: {  	s24 =	simm.s32 $0x1B8B  }
0x1a: {  	_ =	swait.ge [sflag:s24], $0x1  }
0x1b: {  	[sflag:s24] =	ssyncset.done $0x0  }
0x1c: {  	s26 =	simm.s32 $0x1B8E;
	s25 =	sld [smem:$0x3FFE];
	[sflag:s24] =	ssyncadd.s32 $0xFFFFFFFF  }
0x1d: {  	s27 =	simm.s32 $execute0_lowered;
	[smem:$0x3FD2] =	sst s26  }
0x1e: {  	s4 =	sshll.u32 s27, $0x1;
	_ =	strace $0x80000046;
	[dreg:$0x1] =	wrdreg $0xFFFFFFFF  }
0x1f: {  	s28 =	simm.s32 $_size_execute0_lowered;
	s1 =	sadd.s32 s1, s4;
	[dreg:$0x0] =	wrdreg $0x0  }
0x20: {  	s4 =	sshll.u32 s28, $0x1;
	[dreg:$0x2] =	wrdreg s1  }
0x21: {  	[dreg:$0x3] =	wrdreg s4  }
0x22: {  	[dreg:$0x4] =	wrdreg $0xC0  }
0x23: {  	_ =	task [dreg:s6], $0x5FFFF  }
0x24: {  	[dreg:$0x1] =	wrdreg $0xFFFFFFFF  }
0x25: {  	[dreg:$0x0] =	wrdreg $0x60  }
0x26: {  	[dreg:$0x2] =	wrdreg s25  }
0x27: {  	[dreg:$0x3] =	wrdreg $0x9  }
0x28: {  	_ =	task.clear_ibuf [dreg:s6], $0x4FFFF;
	_ =	strace $0x90000046  }
0x29: {  	s29 =	simm.s32 $0x9;
	_ =	strace $0x80000048  }
0x2a: {  	_ =	swait.ge [sflag:s29], $0x1  }
0x2b: {  	[sflag:s29] =	ssyncadd.s32 $0xFFFFFFFF  }
0x2c: {  	_ =	strace $0x90000048  }
0x2d: {  	_ =	sfence  }
0x2e: {  	s30 =	sld [smem:$0x0];
	_ =	sdelay $0x2  }
0x2f: {  	s31 =	sshll.u32 s3, $0xD;
	s3 =	sshrl.u32 s3, $0x2  }
0x30: {  	s2 =	sand.u32 $0x4000, s31;
	s1 =	sadd.s32 s3, s30  }
0x31: {  	s0 =	sor.u32 s2, s0;
	s1 =	sshll.u32 s1, $0x11  }
0x32: {  	s0 =	sor.u32 s1, s0  }
0x33: {  	s0 =	sadd.s32 $0x8F2B, s0  }
0x34: {  	[sflag:s0] =	ssyncadd.remote.s32 $0x1  }
0x35: {  	_ =	sfence.sel $0xFFFF  }
0x36: {  	[dreg:$0x0] =	wrdreg $0xFFFFFFFF;
	(pc) =	sbr.abs _section_cstart, $3  }
0x37: {  	[dreg:$0x1] =	wrdreg $0xFFFFFFFF  }
0x38: {  	_ =	task.clear_ibuf [dreg:s6], $0x2FFFF;
	_ =	strace $0x9FFFFFFF  }
0x39: {  	(tm) =	ssettm $0x7FFFFFFF  }
tec
execute0_lowered:
.L_overlay_start_1:
0x0: {  	(tag) =	ssettag $0x1  }
0x1: {  	s1 =	rddreg [dreg:$0x0]  }
0x2: {  	s0 =	rddreg [dreg:$0x1]  }
0x3: {  	_ =	strace $0x80000047;
	s4 =	srdreg.scid;
	s6 =	simm.s32 $0x2  }
.Ltmp0:
0x4: {  	p0 =	por $0x0, $0x0;
	s9 =	simm.s32 $0x0;
	(pc) =	sbr.rel .LBB1_1-.Ltmp0, $4  }
0x5: {  	s2 =	sadd.s32 $0xFFC00, s1;
	s3 =	sadd.s32 $0x1FFC00, s1;
	s5 =	sshll.u32 s4, $0x4  }
0x6: {  	s1 =	stileid.u32;
	s4 =	simm.s32 $0x1;
	s5 =	sand.u32 $0x10, s5  }
0x7: {  	s7 =	simm.s32 $0x0;
	[sflag:s4] =	ssyncpa.u1 $0x0;
	s5 =	sor.u32 s1, s5  }
0x8: {  	[sflag:s6] =	ssyncpa.u1 $0x0;
	s6 =	simm.s32 $0x0;
	s8 =	smov.u32 s5  }
.LBB1_7:
0x9: {  	s11 =	sadd.s32 $0x20, s8  }
0xa: {  	p1 =	slt.u32 s7, $0x2;
	s7 =	sadd.s32 $0x1, s7;
	p2 =	sgt.s32 s11, $0x1FF  }
0xb: {  	s11 =	smov.u32 @p2 s5;
	p2 =	sne.s32 s7, $0x12  }
.Ltmp1:
0xc: {  	_ = 	snop;
	(pc) =	sbr.rel @!p2 .LBB1_8-.Ltmp1, $4  }
0xd: {  	s10 =	simm.s32 @!p1 $0x2  }
0xe: {  	_ =	swait.ge @!p1 [sflag:s10], $0x4000  }
0xf: {  	s9 =	smov.u32 s8;
	[sflag:s10] =	ssyncset.done @!p1 $0x0  }
0x10: {  	p0 =	por !p0, !p0;
	s8 =	smov.u32 s11;
	[sflag:s10] =	ssyncadd.s32 @!p1 $0xFFFFC000  }
.LBB1_1:
0x11: {  	p1 =	sgt.u32 s7, $0xF  }
0x12: {  	s10 =	sxor.u32 @!p1 $0xFFFFFFFF, s7  }
0x13: {  	s11 =	sshll.u32 @!p1 s8, $0xB;
	s10 =	sshll.u32 @!p1 s10, $0xE  }
0x14: {  	s12 =	simm.s32 @!p1 $0x0;
	s11 =	sadd.s32 @!p1 s2, s11;
	s10 =	sand.u32 @!p1 $0x4000, s10  }
0x15: {  	[tilespmem:s10], [sflag:$0x1] =	stream.linear.gather @!p1 [hbm4b:s11+s12], $0x4000, $0x38;
	[tilespmem:$0x10000] =	vst v63  }
0x16: {  	p1 =	seq.s32 s7, $0x0  }
0x17: {  	p2 =	seq.s32 @!p1 s7, $0x11  }
0x18: {  	p1 =	por p1, p2  }
.Ltmp2:
0x19: {  	_ = 	snop;
	(pc) =	sbr.rel @p1 .LBB1_7-.Ltmp2, $1  }
0x1a: {  	_ =	sdelay $0x3  }
0x1b: {  	s10 =	simm.s32 $0x1;
	_ =	swait.ge [sflag:s4], $0x4000;
	s12 =	sshll.u32 s7, $0xE  }
0x1c: {  	s13 =	simm.s32 $0x0;
	s10 =	simm.s32 @!p0 $0x0;
	[sflag:s4] =	ssyncset.done $0x0  }
0x1d: {  	s12 =	sand.u32 $0x4000, s12;
	s11 =	sshll.u32 s10, $0xE;
	[sflag:s4] =	ssyncadd.s32 $0xFFFFC000  }
0x1e: {  	s12 =	sor.u32 $0x8000, s12;
	s10 =	sor.u32 $0x8040, s11;
	s11 =	sor.u32 $0x40, s11  }
.LBB1_3:
0x1f: {  	v0 =	vmov s11;
	_ =	sdelay $0x3  }
0x20: {  	s15 =	simm.s32 $0x0  }
0x21: {  	v6 =	vld.idx.msk [tilespmem:v0+s15+$0x30 ss:$0x1], $0xffff  }
0x22: {  	v7 =	vld.idx.msk [tilespmem:v0+s15+$0xFFFFFFC0 ss:$0x1], $0xffff  }
0x23: {  	v5 =	vld.idx.msk [tilespmem:v0+s15+$0xFFFFFFD0 ss:$0x1], $0xffff  }
0x24: {  	v4 =	vld.idx.msk [tilespmem:v0+s15+$0xFFFFFFE0 ss:$0x1], $0xffff  }
0x25: {  	v3 =	vld.idx.msk [tilespmem:v0+s15+$0xFFFFFFF0 ss:$0x1], $0xffff  }
0x26: {  	v1 =	vld.idx.msk [tilespmem:v0+s15+$0x0 ss:$0x1], $0xffff  }
0x27: {  	v2 =	vld.idx.msk [tilespmem:v0+s15+$0x10 ss:$0x1], $0xffff;
	[tilespmem:s10+$0x30] =	vst v6  }
0x28: {  	s14 =	simm.s32 $0x80;
	s16 =	simm.s32 $0x400;
	[tilespmem:s10+$0xFFFFFFC0] =	vst v7;
	v6 =	vld.idx.msk [tilespmem:v0+s15+$0x20 ss:$0x1], $0xffff;
	s15 =	smov.u32 s10  }
.LBB1_4:
0x29: {  	p1 =	sne.s32 s16, $0xE00;
	v7 =	vld.idx.msk [tilespmem:v0+s14+$0x30 ss:$0x1], $0xffff;
	[tilespmem:s15+$0xFFFFFFD0] =	vst v5  }
0x2a: {  	v8 =	vld.idx.msk [tilespmem:v0+s14+$0xFFFFFFC0 ss:$0x1], $0xffff;
	[tilespmem:s15+$0xFFFFFFE0] =	vst v4  }
0x2b: {  	v5 =	vld.idx.msk [tilespmem:v0+s14+$0xFFFFFFD0 ss:$0x1], $0xffff;
	[tilespmem:s15+$0xFFFFFFF0] =	vst v3  }
.Ltmp3:
0x2c: {  	v4 =	vld.idx.msk [tilespmem:v0+s14+$0xFFFFFFE0 ss:$0x1], $0xffff;
	[tilespmem:s15+$0x0] =	vst v1;
	(pc) =	sbr.rel @p1 .LBB1_4-.Ltmp3, $4  }
0x2d: {  	v3 =	vld.idx.msk [tilespmem:v0+s14+$0xFFFFFFF0 ss:$0x1], $0xffff;
	[tilespmem:s15+$0x10] =	vst v2  }
0x2e: {  	v1 =	vld.idx.msk [tilespmem:v0+s14+$0x0 ss:$0x1], $0xffff;
	[tilespmem:s15+$0x20] =	vst v6;
	s15 =	sadd.s32 $0x800, s15  }
0x2f: {  	v2 =	vld.idx.msk [tilespmem:v0+s14+$0x10 ss:$0x1], $0xffff;
	[tilespmem:s15+$0x30] =	vst v7  }
0x30: {  	[tilespmem:s15+$0xFFFFFFC0] =	vst v8;
	v6 =	vld.idx.msk [tilespmem:v0+s14+$0x20 ss:$0x1], $0xffff;
	s14 =	sshra.s32 s16, $0x2;
	s16 =	sadd.s32 $0x200, s16  }
0x31: {  	_ =	sdelay $0x2  }
0x32: {  	[tilespmem:s15+$0xFFFFFFD0] =	vst v5  }
0x33: {  	v56 =	vld.idx.msk [tilespmem:v0+s14+$0x30 ss:$0x1], $0xffff;
	[tilespmem:s15+$0xFFFFFFE0] =	vst v4  }
0x34: {  	v57 =	vld.idx.msk [tilespmem:v0+s14+$0xFFFFFFC0 ss:$0x1], $0xffff;
	[tilespmem:s15+$0xFFFFFFF0] =	vst v3  }
0x35: {  	v58 =	vld.idx.msk [tilespmem:v0+s14+$0xFFFFFFD0 ss:$0x1], $0xffff;
	[tilespmem:s15+$0x0] =	vst v1  }
0x36: {  	v59 =	vld.idx.msk [tilespmem:v0+s14+$0xFFFFFFE0 ss:$0x1], $0xffff;
	[tilespmem:s15+$0x10] =	vst v2  }
0x37: {  	v60 =	vld.idx.msk [tilespmem:v0+s14+$0xFFFFFFF0 ss:$0x1], $0xffff;
	s31 =	sadd.s32 $0x800, s15;
	[tilespmem:s15+$0x20] =	vst v6  }
0x38: {  	v61 =	vld.idx.msk [tilespmem:v0+s14+$0x0 ss:$0x1], $0xffff;
	[tilespmem:s31+$0x30] =	vst v56  }
0x39: {  	v62 =	vld.idx.msk [tilespmem:v0+s14+$0x10 ss:$0x1], $0xffff;
	s13 =	sadd.s32 $0x1, s13;
	[tilespmem:s31+$0xFFFFFFC0] =	vst v57  }
0x3a: {  	v63 =	vld.idx.msk [tilespmem:v0+s14+$0x20 ss:$0x1], $0xffff;
	p1 =	sne.s32 s13, $0x10;
	[tilespmem:s31+$0xFFFFFFD0] =	vst v58  }
.Ltmp4:
0x3b: {  	[tilespmem:s31+$0xFFFFFFE0] =	vst v59;
	(pc) =	sbr.rel @p1 .LBB1_3-.Ltmp4, $4  }
0x3c: {  	[tilespmem:s31+$0xFFFFFFF0] =	vst v60  }
0x3d: {  	[tilespmem:s31+$0x0] =	vst v61  }
0x3e: {  	[tilespmem:s31+$0x10] =	vst v62  }
0x3f: {  	s10 =	sadd.s32 $0x80, s10;
	s11 =	sadd.s32 $0x400, s11;
	[tilespmem:s31+$0x20] =	vst v63  }
.Ltmp5:
0x40: {  	(pc) =	sbr.rel .LBB1_7-.Ltmp5, $4  }
0x41: {  	_ = 	snop  }
0x42: {  	s9 =	sshll.u32 s9, $0xB  }
0x43: {  	s9 =	sadd.s32 s3, s9  }
0x44: {  	[hbm4b:s9+s6] =	stream.linear.scatter [tilespmem:s12], [sflag:$0x2], $0x4000, $0x38;
	[tilespmem:$0x10000] =	vst v63  }
.LBB1_8:
0x45: {  	_ =	sfence.sel $0x180000  }
0x46: {  	s2 =	simm.s32 $0x1;
	[bflag:$0x0] =	sbarrier.arrive $0xFFFF  }
0x47: {  	s31 =	simm.s32 $0x2;
	[sflag:s2] =	ssyncpa.u1 $0x1  }
0x48: {  	[sflag:s31] =	ssyncpa.u1 $0x1  }
0x49: {  	p0 =	sne.s32 s1, $0x0;
	_ =	strace $0x90000047  }
0x4a: {  	s0 =	sadd.s32 @!p0 $0x100000, s0;
	[bflag:$0x2] =	sbarrier.arrive $0xFFFF  }
0x4b: {  	[sflag:s0] =	ssyncadd.tile.s32 @!p0 $0x1;
	_ =	shalt  }
.Lfunc_end1:
_tile_overlayer_lowered:
.L_overlay_start_2:
0x4c: {  	(tag) =	ssettag $0x2  }
0x4d: {  	s0 =	rddreg [dreg:$0x0];
	s2 =	stileid.u32  }
0x4e: {  	s1 =	rddreg [dreg:$0x1];
	p0 =	sne.s32 s2, $0x0  }
0x4f: {  	s3 =	rddreg [dreg:$0x2];
	[bflag:$0x3] =	sbarrier.arrive $0xFFFF;
	s2 =	simm.s32 @!p0 $0x1C01  }
0x50: {  	[timem:s3], [sflag:s2] =	dma.local @!p0 [hbm:s0], s1  }
0x51: {  	s0 =	simm.s32 @!p0 $0x1  }
0x52: {  	_ =	swait.ge @!p0 [sflag:s0], s1  }
0x53: {  	s1 =	ssub.s32 @!p0 $0x0, s1;
	[sflag:s0] =	ssyncset.done @!p0 $0x0  }
0x54: {  	[sflag:s0] =	ssyncadd.s32 @!p0 s1  }
0x55: {  	[bflag:$0x3] =	sbarrier.arrive $0xFFFF  }
0x56: {  	_ =	shalt  }

</sc_bundles>
